<compile_context>
chip_gen: v7x
topology: tpu7x:2x2x1
jax: 0.10.2.dev20260603
libtpu: 0.0.44.dev20260713+nightly
codegen_flags: <defaults>
</compile_context>

<pallas_src>
import jax
import jax.numpy as jnp
from jax import lax
from jax.experimental import pallas as pl
from jax.experimental.pallas import tpu as pltpu
from jax.experimental.pallas import tpu_sc as plsc

B = 32
N = 8732
NB = 8832
NBLK = -(-N // NB)
M = B * N
ROWS = M // 128
C = 21
ALPHA = 1.0
NEG_POS_RATIO = 3.0
NEGATIVE_FOR_HARD = 100.0


def _dense_kernel(xl_ref, xc_ref, gt_ref, conf_ref, key_ref, sums_ref):
    q = pl.program_id(1)
    xl = xl_ref[0].astype(jnp.float32)
    xc = xc_ref[0].astype(jnp.float32)
    gt = gt_ref[0].astype(jnp.float32)

    mx = jnp.max(xc, axis=0, keepdims=True)
    e = jnp.exp(xc - mx)
    z = jnp.sum(e, axis=0, keepdims=True)
    lsm = xc - mx - jnp.log(z)
    log_eps = jnp.log(jnp.float32(1e-7))
    lsm = jnp.maximum(lsm, log_eps)

    g1 = gt[4:21, :]
    g2 = gt[21:42, :]
    log1 = jnp.log(jnp.maximum(xl[4:21, :], 1e-7))
    conf = -(jnp.sum(g1 * log1, axis=0) + jnp.sum(g2 * lsm, axis=0))

    d = gt[0:4, :] - xl[0:4, :]
    a = jnp.abs(d)
    l1 = jnp.where(a < 1.0, 0.5 * d * d, a - 0.5)
    loc = jnp.sum(l1, axis=0)

    mask = gt[42, :]

    key_f = (jnp.sum(xl[5:21, :], axis=0)
             + jnp.sum(e[0:4, :], axis=0) / z[0]) * (1.0 - mask)
    bits = lax.bitcast_convert_type(key_f, jnp.int32)
    key_s = jnp.where(bits >= 0, bits, bits ^ jnp.int32(0x7FFFFFFF))

    conf_ref[0, 0, :] = conf
    key_ref[0, 0, :] = key_s

    valid = lax.iota(jnp.int32, NB) < (jnp.int32(N) - q * jnp.int32(NB))
    pc = jnp.sum(jnp.where(valid, conf * mask, 0.0).reshape(-1, 128), axis=0)
    plc = jnp.sum(jnp.where(valid, loc * mask, 0.0).reshape(-1, 128), axis=0)
    npos = jnp.sum(jnp.where(valid, mask, 0.0).reshape(-1, 128), axis=0)
    stacked = jnp.concatenate(
        [pc[None], plc[None], npos[None], jnp.zeros((5, 128), jnp.float32)])

    @pl.when(q == 0)
    def _():
        sums_ref[0] = stacked

    @pl.when(q != 0)
    def _():
        sums_ref[0] = sums_ref[0] + stacked



SC_NW = 16
MPAD = M + 128
SC_CHUNK = MPAD // SC_NW
SC_VECS = SC_CHUNK // 16
SC_TAIL = M - (SC_NW - 1) * SC_CHUNK
NBINS = 256


def _sc_select(key_hbm, conf_hbm, sums_hbm, out_hbm,
               keyv, confv, hcnt, hconf, merged, sumsv, scalv,
               shared, sscal, allv, allscal, allmerged, outv):
    w = lax.axis_index("s")
    base = w * SC_CHUNK

    @pl.when(w < SC_NW - 1)
    def _():
        pltpu.sync_copy(key_hbm.at[pl.ds(base, SC_CHUNK)], keyv)
        pltpu.sync_copy(conf_hbm.at[pl.ds(base, SC_CHUNK)], confv)

    @pl.when(w == SC_NW - 1)
    def _():
        pltpu.sync_copy(key_hbm.at[pl.ds(base, SC_TAIL)],
                        keyv.at[pl.ds(0, SC_TAIL)])
        pltpu.sync_copy(conf_hbm.at[pl.ds(base, SC_TAIL)],
                        confv.at[pl.ds(0, SC_TAIL)])

    i16 = lax.iota(jnp.int32, 16)
    zeros16 = jnp.zeros((16,), jnp.float32)
    ones16 = jnp.ones((16,), jnp.float32)

    def zloop(i, carry):
        hcnt[pl.ds(i * 16, 16)] = zeros16
        hconf[pl.ds(i * 16, 16)] = zeros16
        return carry

    lax.fori_loop(0, NBINS * 16 // 16, zloop, 0)

    lanebase = i16 * NBINS

    def _scan_chunk(nvec):
        @plsc.parallel_loop(0, nvec, 1, unroll=4)
        def bloop(i):
            kv = keyv[pl.ds(i * 16, 16)]
            cv = confv[pl.ds(i * 16, 16)]
            b = lax.shift_right_arithmetic(kv, 24) + 128
            idx = b + lanebase
            plsc.addupdate_scatter(hcnt, [idx], ones16)
            plsc.addupdate_scatter(hconf, [idx], cv)

    @pl.when(w < SC_NW - 1)
    def _():
        _scan_chunk(SC_VECS)

    @pl.when(w == SC_NW - 1)
    def _():
        _scan_chunk(SC_TAIL // 16)

    def floop(j, carry):
        def inner(l, acc):
            a, ac = acc
            a = a + hcnt[pl.ds(l * NBINS + j * 16, 16)]
            ac = ac + hconf[pl.ds(l * NBINS + j * 16, 16)]
            return (a, ac)

        acc, accc = lax.fori_loop(0, 16, inner, (zeros16, zeros16))
        merged[pl.ds(j * 16, 16)] = acc
        merged[pl.ds(NBINS + j * 16, 16)] = accc
        return carry

    lax.fori_loop(0, 16, floop, 0)
    pltpu.sync_copy(merged, shared.at[pl.ds(w * 2 * NBINS, 2 * NBINS)])

    def batch_stats(b):
        pltpu.sync_copy(sums_hbm.at[b], sumsv)

        def rloop(i, carry):
            pc, plc, np_ = carry
            pc = pc + jnp.sum(sumsv[pl.ds(0 * 128 + i * 16, 16)])
            plc = plc + jnp.sum(sumsv[pl.ds(1 * 128 + i * 16, 16)])
            np_ = np_ + jnp.sum(sumsv[pl.ds(2 * 128 + i * 16, 16)])
            return (pc, plc, np_)

        return lax.fori_loop(0, 8, rloop, (0.0, 0.0, 0.0))

    pc_a, plc_a, np_a = batch_stats(w)
    pc_b, plc_b, np_b = batch_stats(w + 16)
    sv = (jnp.where(i16 == 0, pc_a, 0.0) + jnp.where(i16 == 1, plc_a, 0.0)
          + jnp.where(i16 == 2, np_a, 0.0) + jnp.where(i16 == 3, pc_b, 0.0)
          + jnp.where(i16 == 4, plc_b, 0.0) + jnp.where(i16 == 5, np_b, 0.0))
    scalv[...] = sv
    pltpu.sync_copy(scalv, sscal.at[pl.ds(w * 16, 16)])

    plsc.subcore_barrier()

    @pl.when(w == 0)
    def _():
        pltpu.sync_copy(shared, allv)
        pltpu.sync_copy(sscal, allscal)

        def mloop(j, carry):
            def inner(r, acc):
                a, ac = acc
                a = a + allv[pl.ds(r * 2 * NBINS + j * 16, 16)]
                ac = ac + allv[pl.ds(r * 2 * NBINS + NBINS + j * 16, 16)]
                return (a, ac)

            acc, accc = lax.fori_loop(0, 16, inner, (zeros16, zeros16))
            allmerged[pl.ds(j * 16, 16)] = acc
            allmerged[pl.ds(NBINS + j * 16, 16)] = accc
            return carry

        lax.fori_loop(0, 16, mloop, 0)

        def col(c):
            return plsc.load_gather(allscal, [i16 * 16 + c])

        npa = col(2)
        npb = col(5)
        pos_conf = jnp.sum(col(0)) + jnp.sum(col(3))
        pos_loc = jnp.sum(col(1)) + jnp.sum(col(4))

        nna = jnp.minimum(NEG_POS_RATIO * npa, N - npa)
        nnb = jnp.minimum(NEG_POS_RATIO * npb, N - npb)
        has_min = (jnp.sum(jnp.where(nna > 0, ones16, zeros16))
                   + jnp.sum(jnp.where(nnb > 0, ones16, zeros16)))
        nn_total = jnp.sum(nna) + jnp.sum(nnb)
        nn_batch = jnp.where(has_min > 0, nn_total,
                             jnp.float32(NEGATIVE_FOR_HARD))
        kf = nn_batch.astype(jnp.int32).astype(jnp.float32)

        def sloop(i, carry):
            cum, cumc, jstar, above, above_c = carry
            j = 15 - i
            v = allmerged[pl.ds(j * 16, 16)]
            vc = allmerged[pl.ds(NBINS + j * 16, 16)]
            t = jnp.sum(v)
            tc = jnp.sum(vc)
            hit = jnp.logical_and(cum + t >= kf, jstar < 0)
            jstar = jnp.where(hit, j, jstar)
            above = jnp.where(hit, cum, above)
            above_c = jnp.where(hit, cumc, above_c)
            return (cum + t, cumc + tc, jstar, above, above_c)

        _, _, jstar, above, above_c = lax.fori_loop(
            0, 16, sloop, (0.0, 0.0, jnp.int32(-1), 0.0, 0.0))
        jstar = jnp.maximum(jstar, 0)

        v = allmerged[pl.ds(jstar * 16, 16)]
        vc = allmerged[pl.ds(NBINS + jstar * 16, 16)]
        r = lax.rev(v, (0,))
        rc = lax.rev(vc, (0,))
        cr = plsc.cumsum(r)
        crc = plsc.cumsum(rc)
        hitmask = (above + cr) >= kf
        ii = plsc.all_reduce_ffs(hitmask)
        sel = i16 == ii
        m = jnp.sum(jnp.where(sel, r, zeros16))
        cr_i = jnp.sum(jnp.where(sel, cr, zeros16))
        crc_i = jnp.sum(jnp.where(sel, crc, zeros16))
        rc_i = jnp.sum(jnp.where(sel, rc, zeros16))
        c_gt = above + cr_i - m
        sum_gt = above_c + crc_i - rc_i
        need = kf - c_gt

        npa_safe = jnp.where(npa != 0, npa, ones16)
        npb_safe = jnp.where(npb != 0, npb, ones16)
        denom = jnp.sum(npa_safe) + jnp.sum(npb_safe)

        def bc(s):
            return jnp.full((16,), s, jnp.float32)

        frac_v = bc(need) / bc(jnp.maximum(m, 1.0))
        frac_v = jnp.where(bc(m) > 0, frac_v, 0.0)
        neg_v = bc(sum_gt) + frac_v * bc(rc_i)
        neg_v = jnp.where(bc(kf) > 0, neg_v, 0.0)
        total_v = (bc(pos_conf) + neg_v + ALPHA * bc(pos_loc)) / bc(denom)
        outv[...] = jnp.where(i16 == 0, total_v, 0.0)
        pltpu.sync_copy(outv, out_hbm)


def kernel(y_pred, y_gt):
    yp16 = y_pred.astype(jnp.bfloat16)
    xl_t = jnp.transpose(yp16[0], (0, 2, 1))
    xc_t = jnp.transpose(yp16[1], (0, 2, 1))
    gt_t = jnp.transpose(y_gt.astype(jnp.bfloat16), (0, 2, 1))

    conf, key, sums = pl.pallas_call(
        _dense_kernel,
        grid=(B, NBLK),
        in_specs=[
            pl.BlockSpec((1, C, NB), lambda b, q: (b, 0, q)),
            pl.BlockSpec((1, C, NB), lambda b, q: (b, 0, q)),
            pl.BlockSpec((1, 43, NB), lambda b, q: (b, 0, q)),
        ],
        out_specs=[
            pl.BlockSpec((1, 1, NB), lambda b, q: (b, 0, q)),
            pl.BlockSpec((1, 1, NB), lambda b, q: (b, 0, q)),
            pl.BlockSpec((1, 8, 128), lambda b, q: (b, 0, 0)),
        ],
        out_shape=[
            jax.ShapeDtypeStruct((B, 1, N), jnp.float32),
            jax.ShapeDtypeStruct((B, 1, N), jnp.int32),
            jax.ShapeDtypeStruct((B, 8, 128), jnp.float32),
        ],
    )(xl_t, xc_t, gt_t)

    key_p = key.reshape(M)
    conf_p = conf.reshape(M)

    mesh = plsc.VectorSubcoreMesh(core_axis_name="c", subcore_axis_name="s",
                                  num_cores=1)
    total = pl.kernel(
        _sc_select,
        out_type=jax.ShapeDtypeStruct((16,), jnp.float32),
        mesh=mesh,
        compiler_params=pltpu.CompilerParams(needs_layout_passes=False),
        scratch_types=[
            pltpu.VMEM((SC_CHUNK,), jnp.int32),
            pltpu.VMEM((SC_CHUNK,), jnp.float32),
            pltpu.VMEM((NBINS * 16,), jnp.float32),
            pltpu.VMEM((NBINS * 16,), jnp.float32),
            pltpu.VMEM((2 * NBINS,), jnp.float32),
            pltpu.VMEM((1024,), jnp.float32),
            pltpu.VMEM((16,), jnp.float32),
            pltpu.VMEM_SHARED((SC_NW * 2 * NBINS,), jnp.float32),
            pltpu.VMEM_SHARED((SC_NW * 16,), jnp.float32),
            pltpu.VMEM((SC_NW * 2 * NBINS,), jnp.float32),
            pltpu.VMEM((SC_NW * 16,), jnp.float32),
            pltpu.VMEM((2 * NBINS,), jnp.float32),
            pltpu.VMEM((16,), jnp.float32),
        ],
    )(key_p, conf_p, sums.reshape(B, 1024))
    return total[0]

# --- scband reference (transcript-rebuilt; emitter-appended) ---
"""Pipeline reference for scband-multi-box-loss-30597347017073 (READ-ONLY COPY).

The authoritative reference and input builder live on the scoring server;
editing this copy changes nothing except your own understanding.
"""

import jax, jax.numpy as jnp
import numpy as np

NUM_CLASSES = 21
ALPHA = 1.0
NEG_POS_RATIO = 3.0
BACKGROUND_LABEL_ID = 0
NEGATIVE_FOR_HARD = 100.0


def setup_inputs(seed: int = 0):
    key = jax.random.key(seed)
    k1, k2 = jax.random.split(key)
    y_pred = jax.random.normal(k1, (2, 32, 8732, 21), dtype=jnp.float32)
    y_gt = jax.random.uniform(k2, (32, 8732, 43), dtype=jnp.float32)
    return {"y_pred": y_pred, "y_gt": y_gt}


def reference(y_pred, y_gt):
    num_boxes = y_gt.shape[1]
    yp = jnp.concatenate([y_pred[0], jax.nn.softmax(y_pred[1], axis=-1)], axis=-1)
    yp_conf = jnp.maximum(yp[:, :, 4:], 1e-07)
    conf_loss = -jnp.sum(y_gt[:, :, 4:-1] * jnp.log(yp_conf), axis=-1)
    diff = y_gt[:, :, :4] - yp[:, :, :4]
    abs_loss = jnp.abs(diff)
    sq_loss = 0.5 * diff ** 2
    l1 = jnp.where(abs_loss < 1.0, sq_loss, abs_loss - 0.5)
    loc_loss = jnp.sum(l1, axis=-1)
    mask = y_gt[:, :, -1]
    pos_loc_loss = jnp.sum(loc_loss * mask, axis=1)
    pos_conf_loss = jnp.sum(conf_loss * mask, axis=1)
    num_pos = jnp.sum(mask, axis=-1)
    num_neg = jnp.minimum(NEG_POS_RATIO * num_pos, num_boxes - num_pos)
    has_min = jnp.sum(num_neg > 0)
    num_neg_batch = jnp.where(has_min > 0, jnp.sum(num_neg), jnp.float32(NEGATIVE_FOR_HARD))
    confs_start = 4 + BACKGROUND_LABEL_ID + 1
    confs_end = confs_start + NUM_CLASSES - 1
    max_confs = jnp.sum(yp[:, :, confs_start:confs_end], axis=2)
    max_confs = (max_confs * (1.0 - mask)).reshape(-1)
    total_candidates = max_confs.shape[0]
    k = jnp.floor(num_neg_batch).astype(jnp.int32)
    _, indices = jax.lax.top_k(max_confs, total_candidates)
    neg_conf_loss = conf_loss.reshape(-1)[indices]
    neg_keep = (jnp.arange(total_candidates) < k).astype(neg_conf_loss.dtype)
    num_pos_safe = jnp.where(num_pos != 0, num_pos, jnp.ones_like(num_pos))
    total_loss = jnp.sum(pos_conf_loss) + jnp.sum(neg_conf_loss * neg_keep) + jnp.sum(ALPHA * pos_loc_loss)
    total_loss = total_loss / jnp.sum(num_pos_safe)
    return total_loss

if __name__ == "__main__":
    import jax
    _d = setup_inputs()
    print(jax.jit(kernel)(*tuple(_d.values())))

</pallas_src>

<mosaic_0001>
#map = affine_map<(d0, d1) -> (0)>
#map1 = affine_map<(d0, d1) -> (0, 0)>
module attributes {stable_mosaic.version = 14 : i64} {
  func.func @_sc_select(%arg0: i32, %arg1: i32, %arg2: memref<279424xi32, #tpu.memory_space<hbm>>, %arg3: memref<279424xf32, #tpu.memory_space<hbm>>, %arg4: memref<32x1024xf32, #tpu.memory_space<hbm>>, %arg5: memref<16xf32, #tpu.memory_space<hbm>>, %arg6: memref<17472xi32, #tpu.memory_space<vmem>>, %arg7: memref<17472xf32, #tpu.memory_space<vmem>>, %arg8: memref<4096xf32, #tpu.memory_space<vmem>>, %arg9: memref<4096xf32, #tpu.memory_space<vmem>>, %arg10: memref<512xf32, #tpu.memory_space<vmem>>, %arg11: memref<1024xf32, #tpu.memory_space<vmem>>, %arg12: memref<16xf32, #tpu.memory_space<vmem>>, %arg13: memref<8192xf32, #tpu.memory_space<vmem_shared>>, %arg14: memref<256xf32, #tpu.memory_space<vmem_shared>>, %arg15: memref<8192xf32, #tpu.memory_space<vmem>>, %arg16: memref<256xf32, #tpu.memory_space<vmem>>, %arg17: memref<512xf32, #tpu.memory_space<vmem>>, %arg18: memref<16xf32, #tpu.memory_space<vmem>>) attributes {dimension_semantics = [#tpu.dimension_semantics<core_parallel>, #tpu.dimension_semantics<subcore_parallel>], iteration_bounds = array<i64: 1, 16>, scalar_prefetch = 0 : i64, scratch_operands = 13 : i64, tpu.core_type = #tpu.core_type<sc_vector_subcore>, window_params = [{transform_indices = #map}, {transform_indices = #map}, {transform_indices = #map1}, {transform_indices = #map}]} {
    %mul3A = arith.constant 17472 : i32
    %mul3A_0 = arith.muli %arg1, %mul3A : i32
    %lt3A = arith.constant 15 : i32
    %lt3A_1 = arith.cmpi slt, %arg1, %lt3A : i32
    %convert_element_type3A = arith.extui %lt3A_1 : i1 to i32
    %cond3A = arith.constant 0 : i32
    %cond3A_2 = arith.cmpi ne, %convert_element_type3A, %cond3A : i32
    scf.if %cond3A_2 {
      "tpu.region"() ({
        %run_scoped3A = tpu.sem_alloc : memref<!tpu.dma_semaphore, #tpu.memory_space<semaphore_mem>>
        %dma_start3A = tpu.memref_slice %arg2[%mul3A_0] : memref<279424xi32, #tpu.memory_space<hbm>> -> memref<17472xi32, #tpu.memory_space<hbm>>
        %dma_start3A_110 = tpu.memref_slice %arg2[%mul3A_0] : memref<279424xi32, #tpu.memory_space<hbm>> -> memref<17472xi32, #tpu.memory_space<hbm>>
        tpu.enqueue_dma source(%dma_start3A_110 : memref<17472xi32, #tpu.memory_space<hbm>>) target(%arg6 : memref<17472xi32, #tpu.memory_space<vmem>>) target_semaphore(%run_scoped3A : memref<!tpu.dma_semaphore, #tpu.memory_space<semaphore_mem>>)
        %dma_wait3A = tpu.memref_slice %arg2[%mul3A_0] : memref<279424xi32, #tpu.memory_space<hbm>> -> memref<17472xi32, #tpu.memory_space<hbm>>
        %dma_wait3A_111 = tpu.memref_slice %arg2[%mul3A_0] : memref<279424xi32, #tpu.memory_space<hbm>> -> memref<17472xi32, #tpu.memory_space<hbm>>
        tpu.wait_dma2 semaphore(%run_scoped3A : memref<!tpu.dma_semaphore, #tpu.memory_space<semaphore_mem>>) src(%dma_wait3A_111 : memref<17472xi32, #tpu.memory_space<hbm>>) dst(%arg6 : memref<17472xi32, #tpu.memory_space<vmem>>)
        tpu.yield
      }) : () -> ()
      "tpu.region"() ({
        %run_scoped3A = tpu.sem_alloc : memref<!tpu.dma_semaphore, #tpu.memory_space<semaphore_mem>>
        %dma_start3A = tpu.memref_slice %arg3[%mul3A_0] : memref<279424xf32, #tpu.memory_space<hbm>> -> memref<17472xf32, #tpu.memory_space<hbm>>
        %dma_start3A_110 = tpu.memref_slice %arg3[%mul3A_0] : memref<279424xf32, #tpu.memory_space<hbm>> -> memref<17472xf32, #tpu.memory_space<hbm>>
        tpu.enqueue_dma source(%dma_start3A_110 : memref<17472xf32, #tpu.memory_space<hbm>>) target(%arg7 : memref<17472xf32, #tpu.memory_space<vmem>>) target_semaphore(%run_scoped3A : memref<!tpu.dma_semaphore, #tpu.memory_space<semaphore_mem>>)
        %dma_wait3A = tpu.memref_slice %arg3[%mul3A_0] : memref<279424xf32, #tpu.memory_space<hbm>> -> memref<17472xf32, #tpu.memory_space<hbm>>
        %dma_wait3A_111 = tpu.memref_slice %arg3[%mul3A_0] : memref<279424xf32, #tpu.memory_space<hbm>> -> memref<17472xf32, #tpu.memory_space<hbm>>
        tpu.wait_dma2 semaphore(%run_scoped3A : memref<!tpu.dma_semaphore, #tpu.memory_space<semaphore_mem>>) src(%dma_wait3A_111 : memref<17472xf32, #tpu.memory_space<hbm>>) dst(%arg7 : memref<17472xf32, #tpu.memory_space<vmem>>)
        tpu.yield
      }) : () -> ()
    } else {
    }
    %eq3A = arith.constant 15 : i32
    %eq3A_3 = arith.cmpi eq, %arg1, %eq3A : i32
    %convert_element_type3A_4 = arith.extui %eq3A_3 : i1 to i32
    %cond3A_5 = arith.constant 0 : i32
    %cond3A_6 = arith.cmpi ne, %convert_element_type3A_4, %cond3A_5 : i32
    scf.if %cond3A_6 {
      "tpu.region"() ({
        %run_scoped3A = tpu.sem_alloc : memref<!tpu.dma_semaphore, #tpu.memory_space<semaphore_mem>>
        %dma_start3A = arith.constant 0 : i32
        %dma_start3A_110 = tpu.memref_slice %arg6[%dma_start3A] : memref<17472xi32, #tpu.memory_space<vmem>> -> memref<17344xi32, #tpu.memory_space<vmem>>
        %dma_start3A_111 = tpu.memref_slice %arg2[%mul3A_0] : memref<279424xi32, #tpu.memory_space<hbm>> -> memref<17344xi32, #tpu.memory_space<hbm>>
        %dma_start3A_112 = arith.constant 0 : i32
        %dma_start3A_113 = tpu.memref_slice %arg6[%dma_start3A_112] : memref<17472xi32, #tpu.memory_space<vmem>> -> memref<17344xi32, #tpu.memory_space<vmem>>
        %dma_start3A_114 = tpu.memref_slice %arg2[%mul3A_0] : memref<279424xi32, #tpu.memory_space<hbm>> -> memref<17344xi32, #tpu.memory_space<hbm>>
        tpu.enqueue_dma source(%dma_start3A_114 : memref<17344xi32, #tpu.memory_space<hbm>>) target(%dma_start3A_113 : memref<17344xi32, #tpu.memory_space<vmem>>) target_semaphore(%run_scoped3A : memref<!tpu.dma_semaphore, #tpu.memory_space<semaphore_mem>>)
        %dma_wait3A = arith.constant 0 : i32
        %dma_wait3A_115 = tpu.memref_slice %arg6[%dma_wait3A] : memref<17472xi32, #tpu.memory_space<vmem>> -> memref<17344xi32, #tpu.memory_space<vmem>>
        %dma_wait3A_116 = tpu.memref_slice %arg2[%mul3A_0] : memref<279424xi32, #tpu.memory_space<hbm>> -> memref<17344xi32, #tpu.memory_space<hbm>>
        %dma_wait3A_117 = arith.constant 0 : i32
        %dma_wait3A_118 = tpu.memref_slice %arg6[%dma_wait3A_117] : memref<17472xi32, #tpu.memory_space<vmem>> -> memref<17344xi32, #tpu.memory_space<vmem>>
        %dma_wait3A_119 = tpu.memref_slice %arg2[%mul3A_0] : memref<279424xi32, #tpu.memory_space<hbm>> -> memref<17344xi32, #tpu.memory_space<hbm>>
        tpu.wait_dma2 semaphore(%run_scoped3A : memref<!tpu.dma_semaphore, #tpu.memory_space<semaphore_mem>>) src(%dma_wait3A_119 : memref<17344xi32, #tpu.memory_space<hbm>>) dst(%dma_wait3A_118 : memref<17344xi32, #tpu.memory_space<vmem>>)
        tpu.yield
      }) : () -> ()
      "tpu.region"() ({
        %run_scoped3A = tpu.sem_alloc : memref<!tpu.dma_semaphore, #tpu.memory_space<semaphore_mem>>
        %dma_start3A = arith.constant 0 : i32
        %dma_start3A_110 = tpu.memref_slice %arg7[%dma_start3A] : memref<17472xf32, #tpu.memory_space<vmem>> -> memref<17344xf32, #tpu.memory_space<vmem>>
        %dma_start3A_111 = tpu.memref_slice %arg3[%mul3A_0] : memref<279424xf32, #tpu.memory_space<hbm>> -> memref<17344xf32, #tpu.memory_space<hbm>>
        %dma_start3A_112 = arith.constant 0 : i32
        %dma_start3A_113 = tpu.memref_slice %arg7[%dma_start3A_112] : memref<17472xf32, #tpu.memory_space<vmem>> -> memref<17344xf32, #tpu.memory_space<vmem>>
        %dma_start3A_114 = tpu.memref_slice %arg3[%mul3A_0] : memref<279424xf32, #tpu.memory_space<hbm>> -> memref<17344xf32, #tpu.memory_space<hbm>>
        tpu.enqueue_dma source(%dma_start3A_114 : memref<17344xf32, #tpu.memory_space<hbm>>) target(%dma_start3A_113 : memref<17344xf32, #tpu.memory_space<vmem>>) target_semaphore(%run_scoped3A : memref<!tpu.dma_semaphore, #tpu.memory_space<semaphore_mem>>)
        %dma_wait3A = arith.constant 0 : i32
        %dma_wait3A_115 = tpu.memref_slice %arg7[%dma_wait3A] : memref<17472xf32, #tpu.memory_space<vmem>> -> memref<17344xf32, #tpu.memory_space<vmem>>
        %dma_wait3A_116 = tpu.memref_slice %arg3[%mul3A_0] : memref<279424xf32, #tpu.memory_space<hbm>> -> memref<17344xf32, #tpu.memory_space<hbm>>
        %dma_wait3A_117 = arith.constant 0 : i32
        %dma_wait3A_118 = tpu.memref_slice %arg7[%dma_wait3A_117] : memref<17472xf32, #tpu.memory_space<vmem>> -> memref<17344xf32, #tpu.memory_space<vmem>>
        %dma_wait3A_119 = tpu.memref_slice %arg3[%mul3A_0] : memref<279424xf32, #tpu.memory_space<hbm>> -> memref<17344xf32, #tpu.memory_space<hbm>>
        tpu.wait_dma2 semaphore(%run_scoped3A : memref<!tpu.dma_semaphore, #tpu.memory_space<semaphore_mem>>) src(%dma_wait3A_119 : memref<17344xf32, #tpu.memory_space<hbm>>) dst(%dma_wait3A_118 : memref<17344xf32, #tpu.memory_space<vmem>>)
        tpu.yield
      }) : () -> ()
    } else {
    }
    %iota3A = tpu.iota {dimensions = array<i32: 0>} : vector<16xi32>
    %broadcast_in_dim3A = arith.constant 0.000000e+00 : f32
    %broadcast_in_dim3A_7 = vector.broadcast %broadcast_in_dim3A : f32 to vector<16xf32>
    %broadcast_in_dim3A_8 = arith.constant 1.000000e+00 : f32
    %broadcast_in_dim3A_9 = vector.broadcast %broadcast_in_dim3A_8 : f32 to vector<16xf32>
    %scan3A = arith.constant 0 : i32
    %scan3A_10 = arith.constant 0 : i32
    %scan3A_11 = arith.constant 256 : i32
    %scan3A_12 = arith.addi %scan3A_10, %scan3A_11 : i32
    %scan3A_13 = arith.constant 1 : i32
    scf.for %scan3A_110 = %scan3A_10 to %scan3A_12 step %scan3A_13  : i32 {
      %mul3A_111 = arith.constant 16 : i32
      %mul3A_112 = arith.muli %scan3A_110, %mul3A_111 : i32
      %swap3A_113 = arith.index_cast %mul3A_112 : i32 to index
      %swap3A_114 = tpu.vector_load %arg8[%swap3A_113] {strides = array<i32>} : memref<4096xf32, #tpu.memory_space<vmem>>, vector<16xf32>,
      tpu.vector_store %arg8[%swap3A_113], %broadcast_in_dim3A_7 {strides = array<i32>} : memref<4096xf32, #tpu.memory_space<vmem>>, vector<16xf32>,
      %mul3A_115 = arith.constant 16 : i32
      %mul3A_116 = arith.muli %scan3A_110, %mul3A_115 : i32
      %swap3A_117 = arith.index_cast %mul3A_116 : i32 to index
      %swap3A_118 = tpu.vector_load %arg9[%swap3A_117] {strides = array<i32>} : memref<4096xf32, #tpu.memory_space<vmem>>, vector<16xf32>,
      tpu.vector_store %arg9[%swap3A_117], %broadcast_in_dim3A_7 {strides = array<i32>} : memref<4096xf32, #tpu.memory_space<vmem>>, vector<16xf32>,
    }
    %scan3A_14 = arith.constant 256 : i32
    %mul3A_15 = arith.constant 256 : i32
    %mul3A_16 = vector.broadcast %mul3A_15 : i32 to vector<16xi32>
    %mul3A_17 = arith.muli %iota3A, %mul3A_16 : vector<16xi32>
    %lt3A_18 = arith.constant 15 : i32
    %lt3A_19 = arith.cmpi slt, %arg1, %lt3A_18 : i32
    %convert_element_type3A_20 = arith.extui %lt3A_19 : i1 to i32
    %cond3A_21 = arith.constant 0 : i32
    %cond3A_22 = arith.cmpi ne, %convert_element_type3A_20, %cond3A_21 : i32
    scf.if %cond3A_22 {
      %parallel_loop3A = arith.constant 0 : i32
      %parallel_loop3A_110 = arith.constant 1092 : i32
      %parallel_loop3A_111 = arith.constant 1 : i32
      scf.for %parallel_loop3A_112 = %parallel_loop3A to %parallel_loop3A_110 step %parallel_loop3A_111  : i32 {
        %parallel_loop3A_113 = arith.constant 16 : i32
        %parallel_loop3A_114 = arith.muli %parallel_loop3A_112, %parallel_loop3A_113 : i32
        %parallel_loop3A_115 = arith.index_cast %parallel_loop3A_114 : i32 to index
        %parallel_loop3A_116 = tpu.vector_load %arg6[%parallel_loop3A_115] {strides = array<i32>} : memref<17472xi32, #tpu.memory_space<vmem>>, vector<16xi32>,
        %parallel_loop3A_117 = arith.constant 16 : i32
        %parallel_loop3A_118 = arith.muli %parallel_loop3A_112, %parallel_loop3A_117 : i32
        %parallel_loop3A_119 = arith.index_cast %parallel_loop3A_118 : i32 to index
        %parallel_loop3A_120 = tpu.vector_load %arg7[%parallel_loop3A_119] {strides = array<i32>} : memref<17472xf32, #tpu.memory_space<vmem>>, vector<16xf32>,
        %parallel_loop3A_121 = arith.constant 24 : i32
        %parallel_loop3A_122 = vector.broadcast %parallel_loop3A_121 : i32 to vector<16xi32>
        %parallel_loop3A_123 = arith.shrsi %parallel_loop3A_116, %parallel_loop3A_122 : vector<16xi32>
        %parallel_loop3A_124 = arith.constant 128 : i32
        %parallel_loop3A_125 = vector.broadcast %parallel_loop3A_124 : i32 to vector<16xi32>
        %parallel_loop3A_126 = arith.addi %parallel_loop3A_123, %parallel_loop3A_125 : vector<16xi32>
        %parallel_loop3A_127 = arith.addi %parallel_loop3A_126, %mul3A_17 : vector<16xi32>
        tpu.vector_store_idx %arg8[%parallel_loop3A_127], %broadcast_in_dim3A_9 {add = true} : memref<4096xf32, #tpu.memory_space<vmem>>[vector<16xi32>], vector<16xf32>,
        tpu.vector_store_idx %arg9[%parallel_loop3A_127], %parallel_loop3A_120 {add = true} : memref<4096xf32, #tpu.memory_space<vmem>>[vector<16xi32>], vector<16xf32>,
      } {sc.loop_unroll_factor = 4 : i64, sc.parallel_access}
    } else {
    }
    %eq3A_23 = arith.constant 15 : i32
    %eq3A_24 = arith.cmpi eq, %arg1, %eq3A_23 : i32
    %convert_element_type3A_25 = arith.extui %eq3A_24 : i1 to i32
    %cond3A_26 = arith.constant 0 : i32
    %cond3A_27 = arith.cmpi ne, %convert_element_type3A_25, %cond3A_26 : i32
    scf.if %cond3A_27 {
      %parallel_loop3A = arith.constant 0 : i32
      %parallel_loop3A_110 = arith.constant 1084 : i32
      %parallel_loop3A_111 = arith.constant 1 : i32
      scf.for %parallel_loop3A_112 = %parallel_loop3A to %parallel_loop3A_110 step %parallel_loop3A_111  : i32 {
        %parallel_loop3A_113 = arith.constant 16 : i32
        %parallel_loop3A_114 = arith.muli %parallel_loop3A_112, %parallel_loop3A_113 : i32
        %parallel_loop3A_115 = arith.index_cast %parallel_loop3A_114 : i32 to index
        %parallel_loop3A_116 = tpu.vector_load %arg6[%parallel_loop3A_115] {strides = array<i32>} : memref<17472xi32, #tpu.memory_space<vmem>>, vector<16xi32>,
        %parallel_loop3A_117 = arith.constant 16 : i32
        %parallel_loop3A_118 = arith.muli %parallel_loop3A_112, %parallel_loop3A_117 : i32
        %parallel_loop3A_119 = arith.index_cast %parallel_loop3A_118 : i32 to index
        %parallel_loop3A_120 = tpu.vector_load %arg7[%parallel_loop3A_119] {strides = array<i32>} : memref<17472xf32, #tpu.memory_space<vmem>>, vector<16xf32>,
        %parallel_loop3A_121 = arith.constant 24 : i32
        %parallel_loop3A_122 = vector.broadcast %parallel_loop3A_121 : i32 to vector<16xi32>
        %parallel_loop3A_123 = arith.shrsi %parallel_loop3A_116, %parallel_loop3A_122 : vector<16xi32>
        %parallel_loop3A_124 = arith.constant 128 : i32
        %parallel_loop3A_125 = vector.broadcast %parallel_loop3A_124 : i32 to vector<16xi32>
        %parallel_loop3A_126 = arith.addi %parallel_loop3A_123, %parallel_loop3A_125 : vector<16xi32>
        %parallel_loop3A_127 = arith.addi %parallel_loop3A_126, %mul3A_17 : vector<16xi32>
        tpu.vector_store_idx %arg8[%parallel_loop3A_127], %broadcast_in_dim3A_9 {add = true} : memref<4096xf32, #tpu.memory_space<vmem>>[vector<16xi32>], vector<16xf32>,
        tpu.vector_store_idx %arg9[%parallel_loop3A_127], %parallel_loop3A_120 {add = true} : memref<4096xf32, #tpu.memory_space<vmem>>[vector<16xi32>], vector<16xf32>,
      } {sc.loop_unroll_factor = 4 : i64, sc.parallel_access}
    } else {
    }
    %scan3A_28 = arith.constant 0 : i32
    %scan3A_29 = arith.constant 0 : i32
    %scan3A_30 = arith.constant 16 : i32
    %scan3A_31 = arith.addi %scan3A_29, %scan3A_30 : i32
    %scan3A_32 = arith.constant 1 : i32
    scf.for %scan3A_110 = %scan3A_29 to %scan3A_31 step %scan3A_32  : i32 {
      %scan3A_111 = arith.constant 0 : i32
      %scan3A_112 = arith.constant 16 : i32
      %scan3A_113 = arith.addi %scan3A_111, %scan3A_112 : i32
      %scan3A_114 = arith.constant 1 : i32
      %scan3A_115:2 = scf.for %scan3A_127 = %scan3A_111 to %scan3A_113 step %scan3A_114 iter_args(%scan3A_128 = %broadcast_in_dim3A_7, %scan3A_129 = %broadcast_in_dim3A_7) -> (vector<16xf32>, vector<16xf32>)  : i32 {
        %mul3A_130 = arith.constant 256 : i32
        %mul3A_131 = arith.muli %scan3A_127, %mul3A_130 : i32
        %mul3A_132 = arith.constant 16 : i32
        %mul3A_133 = arith.muli %scan3A_110, %mul3A_132 : i32
        %add3A_134 = arith.addi %mul3A_131, %mul3A_133 : i32
        %get3A = arith.index_cast %add3A_134 : i32 to index
        %get3A_135 = tpu.vector_load %arg8[%get3A] {strides = array<i32>} : memref<4096xf32, #tpu.memory_space<vmem>>, vector<16xf32>,
        %add3A_136 = arith.addf %scan3A_128, %get3A_135 : vector<16xf32>
        %mul3A_137 = arith.constant 256 : i32
        %mul3A_138 = arith.muli %scan3A_127, %mul3A_137 : i32
        %mul3A_139 = arith.constant 16 : i32
        %mul3A_140 = arith.muli %scan3A_110, %mul3A_139 : i32
        %add3A_141 = arith.addi %mul3A_138, %mul3A_140 : i32
        %get3A_142 = arith.index_cast %add3A_141 : i32 to index
        %get3A_143 = tpu.vector_load %arg9[%get3A_142] {strides = array<i32>} : memref<4096xf32, #tpu.memory_space<vmem>>, vector<16xf32>,
        %add3A_144 = arith.addf %scan3A_129, %get3A_143 : vector<16xf32>
        scf.yield %add3A_136, %add3A_144 : vector<16xf32>, vector<16xf32>
      }
      %scan3A_116 = arith.constant 16 : i32
      %mul3A_117 = arith.constant 16 : i32
      %mul3A_118 = arith.muli %scan3A_110, %mul3A_117 : i32
      %swap3A_119 = arith.index_cast %mul3A_118 : i32 to index
      %swap3A_120 = tpu.vector_load %arg10[%swap3A_119] {strides = array<i32>} : memref<512xf32, #tpu.memory_space<vmem>>, vector<16xf32>,
      tpu.vector_store %arg10[%swap3A_119], %scan3A_115#0 {strides = array<i32>} : memref<512xf32, #tpu.memory_space<vmem>>, vector<16xf32>,
      %mul3A_121 = arith.constant 16 : i32
      %mul3A_122 = arith.muli %scan3A_110, %mul3A_121 : i32
      %add3A_123 = arith.constant 256 : i32
      %add3A_124 = arith.addi %add3A_123, %mul3A_122 : i32
      %swap3A_125 = arith.index_cast %add3A_124 : i32 to index
      %swap3A_126 = tpu.vector_load %arg10[%swap3A_125] {strides = array<i32>} : memref<512xf32, #tpu.memory_space<vmem>>, vector<16xf32>,
      tpu.vector_store %arg10[%swap3A_125], %scan3A_115#1 {strides = array<i32>} : memref<512xf32, #tpu.memory_space<vmem>>, vector<16xf32>,
    }
    %scan3A_33 = arith.constant 16 : i32
    %mul3A_34 = arith.constant 2 : i32
    %mul3A_35 = arith.muli %arg1, %mul3A_34 : i32
    %mul3A_36 = arith.constant 256 : i32
    %mul3A_37 = arith.muli %mul3A_35, %mul3A_36 : i32
    "tpu.region"() ({
      %run_scoped3A = tpu.sem_alloc : memref<!tpu.dma_semaphore, #tpu.memory_space<semaphore_mem>>
      %dma_start3A = tpu.memref_slice %arg13[%mul3A_37] : memref<8192xf32, #tpu.memory_space<vmem_shared>> -> memref<512xf32, #tpu.memory_space<vmem_shared>>
      %dma_start3A_110 = tpu.memref_slice %arg13[%mul3A_37] : memref<8192xf32, #tpu.memory_space<vmem_shared>> -> memref<512xf32, #tpu.memory_space<vmem_shared>>
      tpu.enqueue_dma source(%arg10 : memref<512xf32, #tpu.memory_space<vmem>>) target(%dma_start3A_110 : memref<512xf32, #tpu.memory_space<vmem_shared>>) target_semaphore(%run_scoped3A : memref<!tpu.dma_semaphore, #tpu.memory_space<semaphore_mem>>)
      %dma_wait3A = tpu.memref_slice %arg13[%mul3A_37] : memref<8192xf32, #tpu.memory_space<vmem_shared>> -> memref<512xf32, #tpu.memory_space<vmem_shared>>
      %dma_wait3A_111 = tpu.memref_slice %arg13[%mul3A_37] : memref<8192xf32, #tpu.memory_space<vmem_shared>> -> memref<512xf32, #tpu.memory_space<vmem_shared>>
      tpu.wait_dma2 semaphore(%run_scoped3A : memref<!tpu.dma_semaphore, #tpu.memory_space<semaphore_mem>>) src(%arg10 : memref<512xf32, #tpu.memory_space<vmem>>) dst(%dma_wait3A_111 : memref<512xf32, #tpu.memory_space<vmem_shared>>)
      tpu.yield
    }) : () -> ()
    "tpu.region"() ({
      %run_scoped3A = tpu.sem_alloc : memref<!tpu.dma_semaphore, #tpu.memory_space<semaphore_mem>>
      %dma_start3A = arith.constant 0 : i32
      %dma_start3A_110 = tpu.memref_slice %arg4[%arg1, %dma_start3A] : memref<32x1024xf32, #tpu.memory_space<hbm>> -> memref<1x1024xf32, #tpu.memory_space<hbm>>
      %dma_start3A_111 = tpu.memref_squeeze %dma_start3A_110 : memref<1x1024xf32, #tpu.memory_space<hbm>> -> memref<1024xf32, #tpu.memory_space<hbm>>
      %dma_start3A_112 = arith.constant 0 : i32
      %dma_start3A_113 = tpu.memref_slice %arg4[%arg1, %dma_start3A_112] : memref<32x1024xf32, #tpu.memory_space<hbm>> -> memref<1x1024xf32, #tpu.memory_space<hbm>>
      %dma_start3A_114 = tpu.memref_squeeze %dma_start3A_113 : memref<1x1024xf32, #tpu.memory_space<hbm>> -> memref<1024xf32, #tpu.memory_space<hbm>>
      tpu.enqueue_dma source(%dma_start3A_114 : memref<1024xf32, #tpu.memory_space<hbm>>) target(%arg11 : memref<1024xf32, #tpu.memory_space<vmem>>) target_semaphore(%run_scoped3A : memref<!tpu.dma_semaphore, #tpu.memory_space<semaphore_mem>>)
      %dma_wait3A = arith.constant 0 : i32
      %dma_wait3A_115 = tpu.memref_slice %arg4[%arg1, %dma_wait3A] : memref<32x1024xf32, #tpu.memory_space<hbm>> -> memref<1x1024xf32, #tpu.memory_space<hbm>>
      %dma_wait3A_116 = tpu.memref_squeeze %dma_wait3A_115 : memref<1x1024xf32, #tpu.memory_space<hbm>> -> memref<1024xf32, #tpu.memory_space<hbm>>
      %dma_wait3A_117 = arith.constant 0 : i32
      %dma_wait3A_118 = tpu.memref_slice %arg4[%arg1, %dma_wait3A_117] : memref<32x1024xf32, #tpu.memory_space<hbm>> -> memref<1x1024xf32, #tpu.memory_space<hbm>>
      %dma_wait3A_119 = tpu.memref_squeeze %dma_wait3A_118 : memref<1x1024xf32, #tpu.memory_space<hbm>> -> memref<1024xf32, #tpu.memory_space<hbm>>
      tpu.wait_dma2 semaphore(%run_scoped3A : memref<!tpu.dma_semaphore, #tpu.memory_space<semaphore_mem>>) src(%dma_wait3A_119 : memref<1024xf32, #tpu.memory_space<hbm>>) dst(%arg11 : memref<1024xf32, #tpu.memory_space<vmem>>)
      tpu.yield
    }) : () -> ()
    %scan3A_38 = arith.constant 0.000000e+00 : f32
    %scan3A_39 = arith.constant 0.000000e+00 : f32
    %scan3A_40 = arith.constant 0.000000e+00 : f32
    %scan3A_41 = arith.constant 0 : i32
    %scan3A_42 = arith.constant 8 : i32
    %scan3A_43 = arith.addi %scan3A_41, %scan3A_42 : i32
    %scan3A_44 = arith.constant 1 : i32
    %scan3A_45:3 = scf.for %scan3A_110 = %scan3A_41 to %scan3A_43 step %scan3A_44 iter_args(%scan3A_111 = %scan3A_38, %scan3A_112 = %scan3A_39, %scan3A_113 = %scan3A_40) -> (f32, f32, f32)  : i32 {
      %mul3A_114 = arith.constant 16 : i32
      %mul3A_115 = arith.muli %scan3A_110, %mul3A_114 : i32
      %add3A_116 = arith.constant 0 : i32
      %add3A_117 = arith.addi %add3A_116, %mul3A_115 : i32
      %get3A = arith.index_cast %add3A_117 : i32 to index
      %get3A_118 = tpu.vector_load %arg11[%get3A] {strides = array<i32>} : memref<1024xf32, #tpu.memory_space<vmem>>, vector<16xf32>,
      %reduce_sum3A = arith.constant true
      %reduce_sum3A_119 = vector.broadcast %reduce_sum3A : i1 to vector<16xi1>
      %reduce_sum3A_120 = tpu.scan <sum>, %get3A_118 masked %reduce_sum3A_119 : vector<16xf32>, vector<16xi1> -> vector<16xf32>
      %reduce_sum3A_121 = vector.extract %reduce_sum3A_120[15] : f32 from vector<16xf32>
      %add3A_122 = arith.addf %scan3A_111, %reduce_sum3A_121 : f32
      %mul3A_123 = arith.constant 16 : i32
      %mul3A_124 = arith.muli %scan3A_110, %mul3A_123 : i32
      %add3A_125 = arith.constant 128 : i32
      %add3A_126 = arith.addi %add3A_125, %mul3A_124 : i32
      %get3A_127 = arith.index_cast %add3A_126 : i32 to index
      %get3A_128 = tpu.vector_load %arg11[%get3A_127] {strides = array<i32>} : memref<1024xf32, #tpu.memory_space<vmem>>, vector<16xf32>,
      %reduce_sum3A_129 = arith.constant true
      %reduce_sum3A_130 = vector.broadcast %reduce_sum3A_129 : i1 to vector<16xi1>
      %reduce_sum3A_131 = tpu.scan <sum>, %get3A_128 masked %reduce_sum3A_130 : vector<16xf32>, vector<16xi1> -> vector<16xf32>
      %reduce_sum3A_132 = vector.extract %reduce_sum3A_131[15] : f32 from vector<16xf32>
      %add3A_133 = arith.addf %scan3A_112, %reduce_sum3A_132 : f32
      %mul3A_134 = arith.constant 16 : i32
      %mul3A_135 = arith.muli %scan3A_110, %mul3A_134 : i32
      %add3A_136 = arith.constant 256 : i32
      %add3A_137 = arith.addi %add3A_136, %mul3A_135 : i32
      %get3A_138 = arith.index_cast %add3A_137 : i32 to index
      %get3A_139 = tpu.vector_load %arg11[%get3A_138] {strides = array<i32>} : memref<1024xf32, #tpu.memory_space<vmem>>, vector<16xf32>,
      %reduce_sum3A_140 = arith.constant true
      %reduce_sum3A_141 = vector.broadcast %reduce_sum3A_140 : i1 to vector<16xi1>
      %reduce_sum3A_142 = tpu.scan <sum>, %get3A_139 masked %reduce_sum3A_141 : vector<16xf32>, vector<16xi1> -> vector<16xf32>
      %reduce_sum3A_143 = vector.extract %reduce_sum3A_142[15] : f32 from vector<16xf32>
      %add3A_144 = arith.addf %scan3A_113, %reduce_sum3A_143 : f32
      scf.yield %add3A_122, %add3A_133, %add3A_144 : f32, f32, f32
    }
    %scan3A_46 = arith.constant 8 : i32
    %add3A = arith.constant 16 : i32
    %add3A_47 = arith.addi %arg1, %add3A : i32
    "tpu.region"() ({
      %run_scoped3A = tpu.sem_alloc : memref<!tpu.dma_semaphore, #tpu.memory_space<semaphore_mem>>
      %dma_start3A = arith.constant 0 : i32
      %dma_start3A_110 = tpu.memref_slice %arg4[%add3A_47, %dma_start3A] : memref<32x1024xf32, #tpu.memory_space<hbm>> -> memref<1x1024xf32, #tpu.memory_space<hbm>>
      %dma_start3A_111 = tpu.memref_squeeze %dma_start3A_110 : memref<1x1024xf32, #tpu.memory_space<hbm>> -> memref<1024xf32, #tpu.memory_space<hbm>>
      %dma_start3A_112 = arith.constant 0 : i32
      %dma_start3A_113 = tpu.memref_slice %arg4[%add3A_47, %dma_start3A_112] : memref<32x1024xf32, #tpu.memory_space<hbm>> -> memref<1x1024xf32, #tpu.memory_space<hbm>>
      %dma_start3A_114 = tpu.memref_squeeze %dma_start3A_113 : memref<1x1024xf32, #tpu.memory_space<hbm>> -> memref<1024xf32, #tpu.memory_space<hbm>>
      tpu.enqueue_dma source(%dma_start3A_114 : memref<1024xf32, #tpu.memory_space<hbm>>) target(%arg11 : memref<1024xf32, #tpu.memory_space<vmem>>) target_semaphore(%run_scoped3A : memref<!tpu.dma_semaphore, #tpu.memory_space<semaphore_mem>>)
      %dma_wait3A = arith.constant 0 : i32
      %dma_wait3A_115 = tpu.memref_slice %arg4[%add3A_47, %dma_wait3A] : memref<32x1024xf32, #tpu.memory_space<hbm>> -> memref<1x1024xf32, #tpu.memory_space<hbm>>
      %dma_wait3A_116 = tpu.memref_squeeze %dma_wait3A_115 : memref<1x1024xf32, #tpu.memory_space<hbm>> -> memref<1024xf32, #tpu.memory_space<hbm>>
      %dma_wait3A_117 = arith.constant 0 : i32
      %dma_wait3A_118 = tpu.memref_slice %arg4[%add3A_47, %dma_wait3A_117] : memref<32x1024xf32, #tpu.memory_space<hbm>> -> memref<1x1024xf32, #tpu.memory_space<hbm>>
      %dma_wait3A_119 = tpu.memref_squeeze %dma_wait3A_118 : memref<1x1024xf32, #tpu.memory_space<hbm>> -> memref<1024xf32, #tpu.memory_space<hbm>>
      tpu.wait_dma2 semaphore(%run_scoped3A : memref<!tpu.dma_semaphore, #tpu.memory_space<semaphore_mem>>) src(%dma_wait3A_119 : memref<1024xf32, #tpu.memory_space<hbm>>) dst(%arg11 : memref<1024xf32, #tpu.memory_space<vmem>>)
      tpu.yield
    }) : () -> ()
    %scan3A_48 = arith.constant 0.000000e+00 : f32
    %scan3A_49 = arith.constant 0.000000e+00 : f32
    %scan3A_50 = arith.constant 0.000000e+00 : f32
    %scan3A_51 = arith.constant 0 : i32
    %scan3A_52 = arith.constant 8 : i32
    %scan3A_53 = arith.addi %scan3A_51, %scan3A_52 : i32
    %scan3A_54 = arith.constant 1 : i32
    %scan3A_55:3 = scf.for %scan3A_110 = %scan3A_51 to %scan3A_53 step %scan3A_54 iter_args(%scan3A_111 = %scan3A_48, %scan3A_112 = %scan3A_49, %scan3A_113 = %scan3A_50) -> (f32, f32, f32)  : i32 {
      %mul3A_114 = arith.constant 16 : i32
      %mul3A_115 = arith.muli %scan3A_110, %mul3A_114 : i32
      %add3A_116 = arith.constant 0 : i32
      %add3A_117 = arith.addi %add3A_116, %mul3A_115 : i32
      %get3A = arith.index_cast %add3A_117 : i32 to index
      %get3A_118 = tpu.vector_load %arg11[%get3A] {strides = array<i32>} : memref<1024xf32, #tpu.memory_space<vmem>>, vector<16xf32>,
      %reduce_sum3A = arith.constant true
      %reduce_sum3A_119 = vector.broadcast %reduce_sum3A : i1 to vector<16xi1>
      %reduce_sum3A_120 = tpu.scan <sum>, %get3A_118 masked %reduce_sum3A_119 : vector<16xf32>, vector<16xi1> -> vector<16xf32>
      %reduce_sum3A_121 = vector.extract %reduce_sum3A_120[15] : f32 from vector<16xf32>
      %add3A_122 = arith.addf %scan3A_111, %reduce_sum3A_121 : f32
      %mul3A_123 = arith.constant 16 : i32
      %mul3A_124 = arith.muli %scan3A_110, %mul3A_123 : i32
      %add3A_125 = arith.constant 128 : i32
      %add3A_126 = arith.addi %add3A_125, %mul3A_124 : i32
      %get3A_127 = arith.index_cast %add3A_126 : i32 to index
      %get3A_128 = tpu.vector_load %arg11[%get3A_127] {strides = array<i32>} : memref<1024xf32, #tpu.memory_space<vmem>>, vector<16xf32>,
      %reduce_sum3A_129 = arith.constant true
      %reduce_sum3A_130 = vector.broadcast %reduce_sum3A_129 : i1 to vector<16xi1>
      %reduce_sum3A_131 = tpu.scan <sum>, %get3A_128 masked %reduce_sum3A_130 : vector<16xf32>, vector<16xi1> -> vector<16xf32>
      %reduce_sum3A_132 = vector.extract %reduce_sum3A_131[15] : f32 from vector<16xf32>
      %add3A_133 = arith.addf %scan3A_112, %reduce_sum3A_132 : f32
      %mul3A_134 = arith.constant 16 : i32
      %mul3A_135 = arith.muli %scan3A_110, %mul3A_134 : i32
      %add3A_136 = arith.constant 256 : i32
      %add3A_137 = arith.addi %add3A_136, %mul3A_135 : i32
      %get3A_138 = arith.index_cast %add3A_137 : i32 to index
      %get3A_139 = tpu.vector_load %arg11[%get3A_138] {strides = array<i32>} : memref<1024xf32, #tpu.memory_space<vmem>>, vector<16xf32>,
      %reduce_sum3A_140 = arith.constant true
      %reduce_sum3A_141 = vector.broadcast %reduce_sum3A_140 : i1 to vector<16xi1>
      %reduce_sum3A_142 = tpu.scan <sum>, %get3A_139 masked %reduce_sum3A_141 : vector<16xf32>, vector<16xi1> -> vector<16xf32>
      %reduce_sum3A_143 = vector.extract %reduce_sum3A_142[15] : f32 from vector<16xf32>
      %add3A_144 = arith.addf %scan3A_113, %reduce_sum3A_143 : f32
      scf.yield %add3A_122, %add3A_133, %add3A_144 : f32, f32, f32
    }
    %scan3A_56 = arith.constant 8 : i32
    %eq3A_57 = arith.constant 0 : i32
    %eq3A_58 = vector.broadcast %eq3A_57 : i32 to vector<16xi32>
    %eq3A_59 = arith.cmpi eq, %iota3A, %eq3A_58 : vector<16xi32>
    %jit3A = arith.constant 0.000000e+00 : f32
    %broadcast_in_dim3A_60 = vector.broadcast %scan3A_45#0 : f32 to vector<16xf32>
    %broadcast_in_dim3A_61 = vector.broadcast %jit3A : f32 to vector<16xf32>
    %select_n3A = arith.select %eq3A_59, %broadcast_in_dim3A_60, %broadcast_in_dim3A_61 : vector<16xi1>, vector<16xf32>
    %eq3A_62 = arith.constant 1 : i32
    %eq3A_63 = vector.broadcast %eq3A_62 : i32 to vector<16xi32>
    %eq3A_64 = arith.cmpi eq, %iota3A, %eq3A_63 : vector<16xi32>
    %jit3A_65 = arith.constant 0.000000e+00 : f32
    %broadcast_in_dim3A_66 = vector.broadcast %scan3A_45#1 : f32 to vector<16xf32>
    %broadcast_in_dim3A_67 = vector.broadcast %jit3A_65 : f32 to vector<16xf32>
    %select_n3A_68 = arith.select %eq3A_64, %broadcast_in_dim3A_66, %broadcast_in_dim3A_67 : vector<16xi1>, vector<16xf32>
    %add3A_69 = arith.addf %select_n3A, %select_n3A_68 : vector<16xf32>
    %eq3A_70 = arith.constant 2 : i32
    %eq3A_71 = vector.broadcast %eq3A_70 : i32 to vector<16xi32>
    %eq3A_72 = arith.cmpi eq, %iota3A, %eq3A_71 : vector<16xi32>
    %jit3A_73 = arith.constant 0.000000e+00 : f32
    %broadcast_in_dim3A_74 = vector.broadcast %scan3A_45#2 : f32 to vector<16xf32>
    %broadcast_in_dim3A_75 = vector.broadcast %jit3A_73 : f32 to vector<16xf32>
    %select_n3A_76 = arith.select %eq3A_72, %broadcast_in_dim3A_74, %broadcast_in_dim3A_75 : vector<16xi1>, vector<16xf32>
    %add3A_77 = arith.addf %add3A_69, %select_n3A_76 : vector<16xf32>
    %eq3A_78 = arith.constant 3 : i32
    %eq3A_79 = vector.broadcast %eq3A_78 : i32 to vector<16xi32>
    %eq3A_80 = arith.cmpi eq, %iota3A, %eq3A_79 : vector<16xi32>
    %jit3A_81 = arith.constant 0.000000e+00 : f32
    %broadcast_in_dim3A_82 = vector.broadcast %scan3A_55#0 : f32 to vector<16xf32>
    %broadcast_in_dim3A_83 = vector.broadcast %jit3A_81 : f32 to vector<16xf32>
    %select_n3A_84 = arith.select %eq3A_80, %broadcast_in_dim3A_82, %broadcast_in_dim3A_83 : vector<16xi1>, vector<16xf32>
    %add3A_85 = arith.addf %add3A_77, %select_n3A_84 : vector<16xf32>
    %eq3A_86 = arith.constant 4 : i32
    %eq3A_87 = vector.broadcast %eq3A_86 : i32 to vector<16xi32>
    %eq3A_88 = arith.cmpi eq, %iota3A, %eq3A_87 : vector<16xi32>
    %jit3A_89 = arith.constant 0.000000e+00 : f32
    %broadcast_in_dim3A_90 = vector.broadcast %scan3A_55#1 : f32 to vector<16xf32>
    %broadcast_in_dim3A_91 = vector.broadcast %jit3A_89 : f32 to vector<16xf32>
    %select_n3A_92 = arith.select %eq3A_88, %broadcast_in_dim3A_90, %broadcast_in_dim3A_91 : vector<16xi1>, vector<16xf32>
    %add3A_93 = arith.addf %add3A_85, %select_n3A_92 : vector<16xf32>
    %eq3A_94 = arith.constant 5 : i32
    %eq3A_95 = vector.broadcast %eq3A_94 : i32 to vector<16xi32>
    %eq3A_96 = arith.cmpi eq, %iota3A, %eq3A_95 : vector<16xi32>
    %jit3A_97 = arith.constant 0.000000e+00 : f32
    %broadcast_in_dim3A_98 = vector.broadcast %scan3A_55#2 : f32 to vector<16xf32>
    %broadcast_in_dim3A_99 = vector.broadcast %jit3A_97 : f32 to vector<16xf32>
    %select_n3A_100 = arith.select %eq3A_96, %broadcast_in_dim3A_98, %broadcast_in_dim3A_99 : vector<16xi1>, vector<16xf32>
    %add3A_101 = arith.addf %add3A_93, %select_n3A_100 : vector<16xf32>
    %swap3A = arith.constant 0 : index
    %swap3A_102 = tpu.vector_load %arg12[%swap3A] {strides = array<i32>} : memref<16xf32, #tpu.memory_space<vmem>>, vector<16xf32>,
    tpu.vector_store %arg12[%swap3A], %add3A_101 {strides = array<i32>} : memref<16xf32, #tpu.memory_space<vmem>>, vector<16xf32>,
    %mul3A_103 = arith.constant 16 : i32
    %mul3A_104 = arith.muli %arg1, %mul3A_103 : i32
    "tpu.region"() ({
      %run_scoped3A = tpu.sem_alloc : memref<!tpu.dma_semaphore, #tpu.memory_space<semaphore_mem>>
      %dma_start3A = tpu.memref_slice %arg14[%mul3A_104] : memref<256xf32, #tpu.memory_space<vmem_shared>> -> memref<16xf32, #tpu.memory_space<vmem_shared>>
      %dma_start3A_110 = tpu.memref_slice %arg14[%mul3A_104] : memref<256xf32, #tpu.memory_space<vmem_shared>> -> memref<16xf32, #tpu.memory_space<vmem_shared>>
      tpu.enqueue_dma source(%arg12 : memref<16xf32, #tpu.memory_space<vmem>>) target(%dma_start3A_110 : memref<16xf32, #tpu.memory_space<vmem_shared>>) target_semaphore(%run_scoped3A : memref<!tpu.dma_semaphore, #tpu.memory_space<semaphore_mem>>)
      %dma_wait3A = tpu.memref_slice %arg14[%mul3A_104] : memref<256xf32, #tpu.memory_space<vmem_shared>> -> memref<16xf32, #tpu.memory_space<vmem_shared>>
      %dma_wait3A_111 = tpu.memref_slice %arg14[%mul3A_104] : memref<256xf32, #tpu.memory_space<vmem_shared>> -> memref<16xf32, #tpu.memory_space<vmem_shared>>
      tpu.wait_dma2 semaphore(%run_scoped3A : memref<!tpu.dma_semaphore, #tpu.memory_space<semaphore_mem>>) src(%arg12 : memref<16xf32, #tpu.memory_space<vmem>>) dst(%dma_wait3A_111 : memref<16xf32, #tpu.memory_space<vmem_shared>>)
      tpu.yield
    }) : () -> ()
    %barrier3A = arith.constant 0 : index
    tpu.barrier barrier_id(%barrier3A)
    %eq3A_105 = arith.constant 0 : i32
    %eq3A_106 = arith.cmpi eq, %arg1, %eq3A_105 : i32
    %convert_element_type3A_107 = arith.extui %eq3A_106 : i1 to i32
    %cond3A_108 = arith.constant 0 : i32
    %cond3A_109 = arith.cmpi ne, %convert_element_type3A_107, %cond3A_108 : i32
    scf.if %cond3A_109 {
      "tpu.region"() ({
        %run_scoped3A = tpu.sem_alloc : memref<!tpu.dma_semaphore, #tpu.memory_space<semaphore_mem>>
        tpu.enqueue_dma source(%arg13 : memref<8192xf32, #tpu.memory_space<vmem_shared>>) target(%arg15 : memref<8192xf32, #tpu.memory_space<vmem>>) target_semaphore(%run_scoped3A : memref<!tpu.dma_semaphore, #tpu.memory_space<semaphore_mem>>)
        tpu.wait_dma2 semaphore(%run_scoped3A : memref<!tpu.dma_semaphore, #tpu.memory_space<semaphore_mem>>) src(%arg13 : memref<8192xf32, #tpu.memory_space<vmem_shared>>) dst(%arg15 : memref<8192xf32, #tpu.memory_space<vmem>>)
        tpu.yield
      }) : () -> ()
      "tpu.region"() ({
        %run_scoped3A = tpu.sem_alloc : memref<!tpu.dma_semaphore, #tpu.memory_space<semaphore_mem>>
        tpu.enqueue_dma source(%arg14 : memref<256xf32, #tpu.memory_space<vmem_shared>>) target(%arg16 : memref<256xf32, #tpu.memory_space<vmem>>) target_semaphore(%run_scoped3A : memref<!tpu.dma_semaphore, #tpu.memory_space<semaphore_mem>>)
        tpu.wait_dma2 semaphore(%run_scoped3A : memref<!tpu.dma_semaphore, #tpu.memory_space<semaphore_mem>>) src(%arg14 : memref<256xf32, #tpu.memory_space<vmem_shared>>) dst(%arg16 : memref<256xf32, #tpu.memory_space<vmem>>)
        tpu.yield
      }) : () -> ()
      %scan3A_110 = arith.constant 0 : i32
      %scan3A_111 = arith.constant 0 : i32
      %scan3A_112 = arith.constant 16 : i32
      %scan3A_113 = arith.addi %scan3A_111, %scan3A_112 : i32
      %scan3A_114 = arith.constant 1 : i32
      scf.for %scan3A_336 = %scan3A_111 to %scan3A_113 step %scan3A_114  : i32 {
        %scan3A_337 = arith.constant 0 : i32
        %scan3A_338 = arith.constant 16 : i32
        %scan3A_339 = arith.addi %scan3A_337, %scan3A_338 : i32
        %scan3A_340 = arith.constant 1 : i32
        %scan3A_341:2 = scf.for %scan3A_353 = %scan3A_337 to %scan3A_339 step %scan3A_340 iter_args(%scan3A_354 = %broadcast_in_dim3A_7, %scan3A_355 = %broadcast_in_dim3A_7) -> (vector<16xf32>, vector<16xf32>)  : i32 {
          %mul3A_356 = arith.constant 2 : i32
          %mul3A_357 = arith.muli %scan3A_353, %mul3A_356 : i32
          %mul3A_358 = arith.constant 256 : i32
          %mul3A_359 = arith.muli %mul3A_357, %mul3A_358 : i32
          %mul3A_360 = arith.constant 16 : i32
          %mul3A_361 = arith.muli %scan3A_336, %mul3A_360 : i32
          %add3A_362 = arith.addi %mul3A_359, %mul3A_361 : i32
          %get3A_363 = arith.index_cast %add3A_362 : i32 to index
          %get3A_364 = tpu.vector_load %arg15[%get3A_363] {strides = array<i32>} : memref<8192xf32, #tpu.memory_space<vmem>>, vector<16xf32>,
          %add3A_365 = arith.addf %scan3A_354, %get3A_364 : vector<16xf32>
          %mul3A_366 = arith.constant 2 : i32
          %mul3A_367 = arith.muli %scan3A_353, %mul3A_366 : i32
          %mul3A_368 = arith.constant 256 : i32
          %mul3A_369 = arith.muli %mul3A_367, %mul3A_368 : i32
          %add3A_370 = arith.constant 256 : i32
          %add3A_371 = arith.addi %mul3A_369, %add3A_370 : i32
          %mul3A_372 = arith.constant 16 : i32
          %mul3A_373 = arith.muli %scan3A_336, %mul3A_372 : i32
          %add3A_374 = arith.addi %add3A_371, %mul3A_373 : i32
          %get3A_375 = arith.index_cast %add3A_374 : i32 to index
          %get3A_376 = tpu.vector_load %arg15[%get3A_375] {strides = array<i32>} : memref<8192xf32, #tpu.memory_space<vmem>>, vector<16xf32>,
          %add3A_377 = arith.addf %scan3A_355, %get3A_376 : vector<16xf32>
          scf.yield %add3A_365, %add3A_377 : vector<16xf32>, vector<16xf32>
        }
        %scan3A_342 = arith.constant 16 : i32
        %mul3A_343 = arith.constant 16 : i32
        %mul3A_344 = arith.muli %scan3A_336, %mul3A_343 : i32
        %swap3A_345 = arith.index_cast %mul3A_344 : i32 to index
        %swap3A_346 = tpu.vector_load %arg17[%swap3A_345] {strides = array<i32>} : memref<512xf32, #tpu.memory_space<vmem>>, vector<16xf32>,
        tpu.vector_store %arg17[%swap3A_345], %scan3A_341#0 {strides = array<i32>} : memref<512xf32, #tpu.memory_space<vmem>>, vector<16xf32>,
        %mul3A_347 = arith.constant 16 : i32
        %mul3A_348 = arith.muli %scan3A_336, %mul3A_347 : i32
        %add3A_349 = arith.constant 256 : i32
        %add3A_350 = arith.addi %add3A_349, %mul3A_348 : i32
        %swap3A_351 = arith.index_cast %add3A_350 : i32 to index
        %swap3A_352 = tpu.vector_load %arg17[%swap3A_351] {strides = array<i32>} : memref<512xf32, #tpu.memory_space<vmem>>, vector<16xf32>,
        tpu.vector_store %arg17[%swap3A_351], %scan3A_341#1 {strides = array<i32>} : memref<512xf32, #tpu.memory_space<vmem>>, vector<16xf32>,
      }
      %scan3A_115 = arith.constant 16 : i32
      %mul3A_116 = arith.constant 16 : i32
      %mul3A_117 = vector.broadcast %mul3A_116 : i32 to vector<16xi32>
      %mul3A_118 = arith.muli %iota3A, %mul3A_117 : vector<16xi32>
      %add3A_119 = arith.constant 2 : i32
      %add3A_120 = vector.broadcast %add3A_119 : i32 to vector<16xi32>
      %add3A_121 = arith.addi %mul3A_118, %add3A_120 : vector<16xi32>
      %gather3A = tpu.vector_load_idx %arg16[%add3A_121] : memref<256xf32, #tpu.memory_space<vmem>>[vector<16xi32>], vector<16xf32>,
      %mul3A_122 = arith.constant 16 : i32
      %mul3A_123 = vector.broadcast %mul3A_122 : i32 to vector<16xi32>
      %mul3A_124 = arith.muli %iota3A, %mul3A_123 : vector<16xi32>
      %add3A_125 = arith.constant 5 : i32
      %add3A_126 = vector.broadcast %add3A_125 : i32 to vector<16xi32>
      %add3A_127 = arith.addi %mul3A_124, %add3A_126 : vector<16xi32>
      %gather3A_128 = tpu.vector_load_idx %arg16[%add3A_127] : memref<256xf32, #tpu.memory_space<vmem>>[vector<16xi32>], vector<16xf32>,
      %mul3A_129 = arith.constant 16 : i32
      %mul3A_130 = vector.broadcast %mul3A_129 : i32 to vector<16xi32>
      %mul3A_131 = arith.muli %iota3A, %mul3A_130 : vector<16xi32>
      %add3A_132 = arith.constant 0 : i32
      %add3A_133 = vector.broadcast %add3A_132 : i32 to vector<16xi32>
      %add3A_134 = arith.addi %mul3A_131, %add3A_133 : vector<16xi32>
      %gather3A_135 = tpu.vector_load_idx %arg16[%add3A_134] : memref<256xf32, #tpu.memory_space<vmem>>[vector<16xi32>], vector<16xf32>,
      %reduce_sum3A = arith.constant true
      %reduce_sum3A_136 = vector.broadcast %reduce_sum3A : i1 to vector<16xi1>
      %reduce_sum3A_137 = tpu.scan <sum>, %gather3A_135 masked %reduce_sum3A_136 : vector<16xf32>, vector<16xi1> -> vector<16xf32>
      %reduce_sum3A_138 = vector.extract %reduce_sum3A_137[15] : f32 from vector<16xf32>
      %mul3A_139 = arith.constant 16 : i32
      %mul3A_140 = vector.broadcast %mul3A_139 : i32 to vector<16xi32>
      %mul3A_141 = arith.muli %iota3A, %mul3A_140 : vector<16xi32>
      %add3A_142 = arith.constant 3 : i32
      %add3A_143 = vector.broadcast %add3A_142 : i32 to vector<16xi32>
      %add3A_144 = arith.addi %mul3A_141, %add3A_143 : vector<16xi32>
      %gather3A_145 = tpu.vector_load_idx %arg16[%add3A_144] : memref<256xf32, #tpu.memory_space<vmem>>[vector<16xi32>], vector<16xf32>,
      %reduce_sum3A_146 = arith.constant true
      %reduce_sum3A_147 = vector.broadcast %reduce_sum3A_146 : i1 to vector<16xi1>
      %reduce_sum3A_148 = tpu.scan <sum>, %gather3A_145 masked %reduce_sum3A_147 : vector<16xf32>, vector<16xi1> -> vector<16xf32>
      %reduce_sum3A_149 = vector.extract %reduce_sum3A_148[15] : f32 from vector<16xf32>
      %add3A_150 = arith.addf %reduce_sum3A_138, %reduce_sum3A_149 : f32
      %mul3A_151 = arith.constant 16 : i32
      %mul3A_152 = vector.broadcast %mul3A_151 : i32 to vector<16xi32>
      %mul3A_153 = arith.muli %iota3A, %mul3A_152 : vector<16xi32>
      %add3A_154 = arith.constant 1 : i32
      %add3A_155 = vector.broadcast %add3A_154 : i32 to vector<16xi32>
      %add3A_156 = arith.addi %mul3A_153, %add3A_155 : vector<16xi32>
      %gather3A_157 = tpu.vector_load_idx %arg16[%add3A_156] : memref<256xf32, #tpu.memory_space<vmem>>[vector<16xi32>], vector<16xf32>,
      %reduce_sum3A_158 = arith.constant true
      %reduce_sum3A_159 = vector.broadcast %reduce_sum3A_158 : i1 to vector<16xi1>
      %reduce_sum3A_160 = tpu.scan <sum>, %gather3A_157 masked %reduce_sum3A_159 : vector<16xf32>, vector<16xi1> -> vector<16xf32>
      %reduce_sum3A_161 = vector.extract %reduce_sum3A_160[15] : f32 from vector<16xf32>
      %mul3A_162 = arith.constant 16 : i32
      %mul3A_163 = vector.broadcast %mul3A_162 : i32 to vector<16xi32>
      %mul3A_164 = arith.muli %iota3A, %mul3A_163 : vector<16xi32>
      %add3A_165 = arith.constant 4 : i32
      %add3A_166 = vector.broadcast %add3A_165 : i32 to vector<16xi32>
      %add3A_167 = arith.addi %mul3A_164, %add3A_166 : vector<16xi32>
      %gather3A_168 = tpu.vector_load_idx %arg16[%add3A_167] : memref<256xf32, #tpu.memory_space<vmem>>[vector<16xi32>], vector<16xf32>,
      %reduce_sum3A_169 = arith.constant true
      %reduce_sum3A_170 = vector.broadcast %reduce_sum3A_169 : i1 to vector<16xi1>
      %reduce_sum3A_171 = tpu.scan <sum>, %gather3A_168 masked %reduce_sum3A_170 : vector<16xf32>, vector<16xi1> -> vector<16xf32>
      %reduce_sum3A_172 = vector.extract %reduce_sum3A_171[15] : f32 from vector<16xf32>
      %add3A_173 = arith.addf %reduce_sum3A_161, %reduce_sum3A_172 : f32
      %mul3A_174 = arith.constant 3.000000e+00 : f32
      %mul3A_175 = vector.broadcast %mul3A_174 : f32 to vector<16xf32>
      %mul3A_176 = arith.mulf %mul3A_175, %gather3A : vector<16xf32>
      %sub3A = arith.constant 8.732000e+03 : f32
      %sub3A_177 = vector.broadcast %sub3A : f32 to vector<16xf32>
      %sub3A_178 = arith.subf %sub3A_177, %gather3A : vector<16xf32>
      %min3A = arith.minimumf %mul3A_176, %sub3A_178 : vector<16xf32>
      %mul3A_179 = arith.constant 3.000000e+00 : f32
      %mul3A_180 = vector.broadcast %mul3A_179 : f32 to vector<16xf32>
      %mul3A_181 = arith.mulf %mul3A_180, %gather3A_128 : vector<16xf32>
      %sub3A_182 = arith.constant 8.732000e+03 : f32
      %sub3A_183 = vector.broadcast %sub3A_182 : f32 to vector<16xf32>
      %sub3A_184 = arith.subf %sub3A_183, %gather3A_128 : vector<16xf32>
      %min3A_185 = arith.minimumf %mul3A_181, %sub3A_184 : vector<16xf32>
      %gt3A = arith.constant 0.000000e+00 : f32
      %gt3A_186 = vector.broadcast %gt3A : f32 to vector<16xf32>
      %gt3A_187 = arith.cmpf ogt, %min3A, %gt3A_186 : vector<16xf32>
      %select_n3A_188 = arith.select %gt3A_187, %broadcast_in_dim3A_9, %broadcast_in_dim3A_7 : vector<16xi1>, vector<16xf32>
      %reduce_sum3A_189 = arith.constant true
      %reduce_sum3A_190 = vector.broadcast %reduce_sum3A_189 : i1 to vector<16xi1>
      %reduce_sum3A_191 = tpu.scan <sum>, %select_n3A_188 masked %reduce_sum3A_190 : vector<16xf32>, vector<16xi1> -> vector<16xf32>
      %reduce_sum3A_192 = vector.extract %reduce_sum3A_191[15] : f32 from vector<16xf32>
      %gt3A_193 = arith.constant 0.000000e+00 : f32
      %gt3A_194 = vector.broadcast %gt3A_193 : f32 to vector<16xf32>
      %gt3A_195 = arith.cmpf ogt, %min3A_185, %gt3A_194 : vector<16xf32>
      %select_n3A_196 = arith.select %gt3A_195, %broadcast_in_dim3A_9, %broadcast_in_dim3A_7 : vector<16xi1>, vector<16xf32>
      %reduce_sum3A_197 = arith.constant true
      %reduce_sum3A_198 = vector.broadcast %reduce_sum3A_197 : i1 to vector<16xi1>
      %reduce_sum3A_199 = tpu.scan <sum>, %select_n3A_196 masked %reduce_sum3A_198 : vector<16xf32>, vector<16xi1> -> vector<16xf32>
      %reduce_sum3A_200 = vector.extract %reduce_sum3A_199[15] : f32 from vector<16xf32>
      %add3A_201 = arith.addf %reduce_sum3A_192, %reduce_sum3A_200 : f32
      %reduce_sum3A_202 = arith.constant true
      %reduce_sum3A_203 = vector.broadcast %reduce_sum3A_202 : i1 to vector<16xi1>
      %reduce_sum3A_204 = tpu.scan <sum>, %min3A masked %reduce_sum3A_203 : vector<16xf32>, vector<16xi1> -> vector<16xf32>
      %reduce_sum3A_205 = vector.extract %reduce_sum3A_204[15] : f32 from vector<16xf32>
      %reduce_sum3A_206 = arith.constant true
      %reduce_sum3A_207 = vector.broadcast %reduce_sum3A_206 : i1 to vector<16xi1>
      %reduce_sum3A_208 = tpu.scan <sum>, %min3A_185 masked %reduce_sum3A_207 : vector<16xf32>, vector<16xi1> -> vector<16xf32>
      %reduce_sum3A_209 = vector.extract %reduce_sum3A_208[15] : f32 from vector<16xf32>
      %add3A_210 = arith.addf %reduce_sum3A_205, %reduce_sum3A_209 : f32
      %gt3A_211 = arith.constant 0.000000e+00 : f32
      %gt3A_212 = arith.cmpf ogt, %add3A_201, %gt3A_211 : f32
      %jit3A_213 = arith.constant 1.000000e+02 : f32
      %select_n3A_214 = arith.select %gt3A_212, %add3A_210, %jit3A_213 : f32
      %convert_element_type3A_215 = arith.fptosi %select_n3A_214 : f32 to i32
      %convert_element_type3A_216 = arith.sitofp %convert_element_type3A_215 : i32 to f32
      %scan3A_217 = arith.constant 0.000000e+00 : f32
      %scan3A_218 = arith.constant 0.000000e+00 : f32
      %scan3A_219 = arith.constant -1 : i32
      %scan3A_220 = arith.constant 0.000000e+00 : f32
      %scan3A_221 = arith.constant 0.000000e+00 : f32
      %scan3A_222 = arith.constant 0 : i32
      %scan3A_223 = arith.constant 16 : i32
      %scan3A_224 = arith.addi %scan3A_222, %scan3A_223 : i32
      %scan3A_225 = arith.constant 1 : i32
      %scan3A_226:5 = scf.for %scan3A_336 = %scan3A_222 to %scan3A_224 step %scan3A_225 iter_args(%scan3A_337 = %scan3A_217, %scan3A_338 = %scan3A_218, %scan3A_339 = %scan3A_219, %scan3A_340 = %scan3A_220, %scan3A_341 = %scan3A_221) -> (f32, f32, i32, f32, f32)  : i32 {
        %sub3A_342 = arith.constant 15 : i32
        %sub3A_343 = arith.subi %sub3A_342, %scan3A_336 : i32
        %mul3A_344 = arith.constant 16 : i32
        %mul3A_345 = arith.muli %sub3A_343, %mul3A_344 : i32
        %get3A_346 = arith.index_cast %mul3A_345 : i32 to index
        %get3A_347 = tpu.vector_load %arg17[%get3A_346] {strides = array<i32>} : memref<512xf32, #tpu.memory_space<vmem>>, vector<16xf32>,
        %mul3A_348 = arith.constant 16 : i32
        %mul3A_349 = arith.muli %sub3A_343, %mul3A_348 : i32
        %add3A_350 = arith.constant 256 : i32
        %add3A_351 = arith.addi %add3A_350, %mul3A_349 : i32
        %get3A_352 = arith.index_cast %add3A_351 : i32 to index
        %get3A_353 = tpu.vector_load %arg17[%get3A_352] {strides = array<i32>} : memref<512xf32, #tpu.memory_space<vmem>>, vector<16xf32>,
        %reduce_sum3A_354 = arith.constant true
        %reduce_sum3A_355 = vector.broadcast %reduce_sum3A_354 : i1 to vector<16xi1>
        %reduce_sum3A_356 = tpu.scan <sum>, %get3A_347 masked %reduce_sum3A_355 : vector<16xf32>, vector<16xi1> -> vector<16xf32>
        %reduce_sum3A_357 = vector.extract %reduce_sum3A_356[15] : f32 from vector<16xf32>
        %reduce_sum3A_358 = arith.constant true
        %reduce_sum3A_359 = vector.broadcast %reduce_sum3A_358 : i1 to vector<16xi1>
        %reduce_sum3A_360 = tpu.scan <sum>, %get3A_353 masked %reduce_sum3A_359 : vector<16xf32>, vector<16xi1> -> vector<16xf32>
        %reduce_sum3A_361 = vector.extract %reduce_sum3A_360[15] : f32 from vector<16xf32>
        %add3A_362 = arith.addf %scan3A_337, %reduce_sum3A_357 : f32
        %ge3A_363 = arith.cmpf oge, %add3A_362, %convert_element_type3A_216 : f32
        %lt3A_364 = arith.constant 0 : i32
        %lt3A_365 = arith.cmpi slt, %scan3A_339, %lt3A_364 : i32
        %and3A = arith.andi %ge3A_363, %lt3A_365 : i1
        %select_n3A_366 = arith.select %and3A, %sub3A_343, %scan3A_339 : i32
        %select_n3A_367 = arith.select %and3A, %scan3A_337, %scan3A_340 : f32
        %select_n3A_368 = arith.select %and3A, %scan3A_338, %scan3A_341 : f32
        %add3A_369 = arith.addf %scan3A_337, %reduce_sum3A_357 : f32
        %add3A_370 = arith.addf %scan3A_338, %reduce_sum3A_361 : f32
        scf.yield %add3A_369, %add3A_370, %select_n3A_366, %select_n3A_367, %select_n3A_368 : f32, f32, i32, f32, f32
      }
      %scan3A_227 = arith.constant 16 : i32
      %max3A = arith.constant 0 : i32
      %max3A_228 = arith.maxsi %scan3A_226#2, %max3A : i32
      %mul3A_229 = arith.constant 16 : i32
      %mul3A_230 = arith.muli %max3A_228, %mul3A_229 : i32
      %get3A = arith.index_cast %mul3A_230 : i32 to index
      %get3A_231 = tpu.vector_load %arg17[%get3A] {strides = array<i32>} : memref<512xf32, #tpu.memory_space<vmem>>, vector<16xf32>,
      %mul3A_232 = arith.constant 16 : i32
      %mul3A_233 = arith.muli %max3A_228, %mul3A_232 : i32
      %add3A_234 = arith.constant 256 : i32
      %add3A_235 = arith.addi %add3A_234, %mul3A_233 : i32
      %get3A_236 = arith.index_cast %add3A_235 : i32 to index
      %get3A_237 = tpu.vector_load %arg17[%get3A_236] {strides = array<i32>} : memref<512xf32, #tpu.memory_space<vmem>>, vector<16xf32>,
      %rev3A = arith.constant 15 : i32
      %rev3A_238 = vector.broadcast %rev3A : i32 to vector<16xi32>
      %rev3A_239 = tpu.iota {dimensions = array<i32: 0>} : vector<16xi32>
      %rev3A_240 = arith.subi %rev3A_238, %rev3A_239 : vector<16xi32>
      %rev3A_241 = tpu.dynamic_gather %get3A_231[%rev3A_240] in [0] : vector<16xf32>, vector<16xi32> -> vector<16xf32>
      %rev3A_242 = arith.constant 15 : i32
      %rev3A_243 = vector.broadcast %rev3A_242 : i32 to vector<16xi32>
      %rev3A_244 = tpu.iota {dimensions = array<i32: 0>} : vector<16xi32>
      %rev3A_245 = arith.subi %rev3A_243, %rev3A_244 : vector<16xi32>
      %rev3A_246 = tpu.dynamic_gather %get3A_237[%rev3A_245] in [0] : vector<16xf32>, vector<16xi32> -> vector<16xf32>
      %broadcast_in_dim3A_247 = arith.constant true
      %broadcast_in_dim3A_248 = vector.broadcast %broadcast_in_dim3A_247 : i1 to vector<16xi1>
      %masked_cumsum3A = tpu.scan <sum>, %rev3A_241 masked %broadcast_in_dim3A_248 : vector<16xf32>, vector<16xi1> -> vector<16xf32>
      %broadcast_in_dim3A_249 = arith.constant true
      %broadcast_in_dim3A_250 = vector.broadcast %broadcast_in_dim3A_249 : i1 to vector<16xi1>
      %masked_cumsum3A_251 = tpu.scan <sum>, %rev3A_246 masked %broadcast_in_dim3A_250 : vector<16xf32>, vector<16xi1> -> vector<16xf32>
      %add3A_252 = vector.broadcast %scan3A_226#3 : f32 to vector<16xf32>
      %add3A_253 = arith.addf %add3A_252, %masked_cumsum3A : vector<16xf32>
      %ge3A = vector.broadcast %convert_element_type3A_216 : f32 to vector<16xf32>
      %ge3A_254 = arith.cmpf oge, %add3A_253, %ge3A : vector<16xf32>
      %all_reduce_ffs3A = tpu.all_reduce %ge3A_254 {dim = 0 : i64, kind = #tpu.reduction_kind<find_first_set>} : vector<16xi1> -> vector<16xi32>
      %eq3A_255 = arith.cmpi eq, %iota3A, %all_reduce_ffs3A : vector<16xi32>
      %select_n3A_256 = arith.select %eq3A_255, %rev3A_241, %broadcast_in_dim3A_7 : vector<16xi1>, vector<16xf32>
      %reduce_sum3A_257 = arith.constant true
      %reduce_sum3A_258 = vector.broadcast %reduce_sum3A_257 : i1 to vector<16xi1>
      %reduce_sum3A_259 = tpu.scan <sum>, %select_n3A_256 masked %reduce_sum3A_258 : vector<16xf32>, vector<16xi1> -> vector<16xf32>
      %reduce_sum3A_260 = vector.extract %reduce_sum3A_259[15] : f32 from vector<16xf32>
      %select_n3A_261 = arith.select %eq3A_255, %masked_cumsum3A, %broadcast_in_dim3A_7 : vector<16xi1>, vector<16xf32>
      %reduce_sum3A_262 = arith.constant true
      %reduce_sum3A_263 = vector.broadcast %reduce_sum3A_262 : i1 to vector<16xi1>
      %reduce_sum3A_264 = tpu.scan <sum>, %select_n3A_261 masked %reduce_sum3A_263 : vector<16xf32>, vector<16xi1> -> vector<16xf32>
      %reduce_sum3A_265 = vector.extract %reduce_sum3A_264[15] : f32 from vector<16xf32>
      %select_n3A_266 = arith.select %eq3A_255, %masked_cumsum3A_251, %broadcast_in_dim3A_7 : vector<16xi1>, vector<16xf32>
      %reduce_sum3A_267 = arith.constant true
      %reduce_sum3A_268 = vector.broadcast %reduce_sum3A_267 : i1 to vector<16xi1>
      %reduce_sum3A_269 = tpu.scan <sum>, %select_n3A_266 masked %reduce_sum3A_268 : vector<16xf32>, vector<16xi1> -> vector<16xf32>
      %reduce_sum3A_270 = vector.extract %reduce_sum3A_269[15] : f32 from vector<16xf32>
      %select_n3A_271 = arith.select %eq3A_255, %rev3A_246, %broadcast_in_dim3A_7 : vector<16xi1>, vector<16xf32>
      %reduce_sum3A_272 = arith.constant true
      %reduce_sum3A_273 = vector.broadcast %reduce_sum3A_272 : i1 to vector<16xi1>
      %reduce_sum3A_274 = tpu.scan <sum>, %select_n3A_271 masked %reduce_sum3A_273 : vector<16xf32>, vector<16xi1> -> vector<16xf32>
      %reduce_sum3A_275 = vector.extract %reduce_sum3A_274[15] : f32 from vector<16xf32>
      %add3A_276 = arith.addf %scan3A_226#3, %reduce_sum3A_265 : f32
      %sub3A_277 = arith.subf %add3A_276, %reduce_sum3A_260 : f32
      %add3A_278 = arith.addf %scan3A_226#4, %reduce_sum3A_270 : f32
      %sub3A_279 = arith.subf %add3A_278, %reduce_sum3A_275 : f32
      %sub3A_280 = arith.subf %convert_element_type3A_216, %sub3A_277 : f32
      %ne3A = arith.constant 0.000000e+00 : f32
      %ne3A_281 = vector.broadcast %ne3A : f32 to vector<16xf32>
      %ne3A_282 = arith.cmpf one, %gather3A, %ne3A_281 : vector<16xf32>
      %select_n3A_283 = arith.select %ne3A_282, %gather3A, %broadcast_in_dim3A_9 : vector<16xi1>, vector<16xf32>
      %ne3A_284 = arith.constant 0.000000e+00 : f32
      %ne3A_285 = vector.broadcast %ne3A_284 : f32 to vector<16xf32>
      %ne3A_286 = arith.cmpf one, %gather3A_128, %ne3A_285 : vector<16xf32>
      %select_n3A_287 = arith.select %ne3A_286, %gather3A_128, %broadcast_in_dim3A_9 : vector<16xi1>, vector<16xf32>
      %reduce_sum3A_288 = arith.constant true
      %reduce_sum3A_289 = vector.broadcast %reduce_sum3A_288 : i1 to vector<16xi1>
      %reduce_sum3A_290 = tpu.scan <sum>, %select_n3A_283 masked %reduce_sum3A_289 : vector<16xf32>, vector<16xi1> -> vector<16xf32>
      %reduce_sum3A_291 = vector.extract %reduce_sum3A_290[15] : f32 from vector<16xf32>
      %reduce_sum3A_292 = arith.constant true
      %reduce_sum3A_293 = vector.broadcast %reduce_sum3A_292 : i1 to vector<16xi1>
      %reduce_sum3A_294 = tpu.scan <sum>, %select_n3A_287 masked %reduce_sum3A_293 : vector<16xf32>, vector<16xi1> -> vector<16xf32>
      %reduce_sum3A_295 = vector.extract %reduce_sum3A_294[15] : f32 from vector<16xf32>
      %add3A_296 = arith.addf %reduce_sum3A_291, %reduce_sum3A_295 : f32
      %broadcast_in_dim3A_297 = vector.broadcast %sub3A_280 : f32 to vector<16xf32>
      %max3A_298 = arith.constant 1.000000e+00 : f32
      %max3A_299 = arith.maximumf %reduce_sum3A_260, %max3A_298 : f32
      %broadcast_in_dim3A_300 = vector.broadcast %max3A_299 : f32 to vector<16xf32>
      %div3A = arith.divf %broadcast_in_dim3A_297, %broadcast_in_dim3A_300 : vector<16xf32>
      %broadcast_in_dim3A_301 = vector.broadcast %reduce_sum3A_260 : f32 to vector<16xf32>
      %gt3A_302 = arith.constant 0.000000e+00 : f32
      %gt3A_303 = vector.broadcast %gt3A_302 : f32 to vector<16xf32>
      %gt3A_304 = arith.cmpf ogt, %broadcast_in_dim3A_301, %gt3A_303 : vector<16xf32>
      %jit3A_305 = arith.constant 0.000000e+00 : f32
      %broadcast_in_dim3A_306 = vector.broadcast %jit3A_305 : f32 to vector<16xf32>
      %select_n3A_307 = arith.select %gt3A_304, %div3A, %broadcast_in_dim3A_306 : vector<16xi1>, vector<16xf32>
      %broadcast_in_dim3A_308 = vector.broadcast %sub3A_279 : f32 to vector<16xf32>
      %broadcast_in_dim3A_309 = vector.broadcast %reduce_sum3A_275 : f32 to vector<16xf32>
      %mul3A_310 = arith.mulf %select_n3A_307, %broadcast_in_dim3A_309 : vector<16xf32>
      %add3A_311 = arith.addf %broadcast_in_dim3A_308, %mul3A_310 : vector<16xf32>
      %broadcast_in_dim3A_312 = vector.broadcast %convert_element_type3A_216 : f32 to vector<16xf32>
      %gt3A_313 = arith.constant 0.000000e+00 : f32
      %gt3A_314 = vector.broadcast %gt3A_313 : f32 to vector<16xf32>
      %gt3A_315 = arith.cmpf ogt, %broadcast_in_dim3A_312, %gt3A_314 : vector<16xf32>
      %jit3A_316 = arith.constant 0.000000e+00 : f32
      %broadcast_in_dim3A_317 = vector.broadcast %jit3A_316 : f32 to vector<16xf32>
      %select_n3A_318 = arith.select %gt3A_315, %add3A_311, %broadcast_in_dim3A_317 : vector<16xi1>, vector<16xf32>
      %broadcast_in_dim3A_319 = vector.broadcast %add3A_150 : f32 to vector<16xf32>
      %add3A_320 = arith.addf %broadcast_in_dim3A_319, %select_n3A_318 : vector<16xf32>
      %broadcast_in_dim3A_321 = vector.broadcast %add3A_173 : f32 to vector<16xf32>
      %mul3A_322 = arith.constant 1.000000e+00 : f32
      %mul3A_323 = vector.broadcast %mul3A_322 : f32 to vector<16xf32>
      %mul3A_324 = arith.mulf %mul3A_323, %broadcast_in_dim3A_321 : vector<16xf32>
      %add3A_325 = arith.addf %add3A_320, %mul3A_324 : vector<16xf32>
      %broadcast_in_dim3A_326 = vector.broadcast %add3A_296 : f32 to vector<16xf32>
      %div3A_327 = arith.divf %add3A_325, %broadcast_in_dim3A_326 : vector<16xf32>
      %eq3A_328 = arith.constant 0 : i32
      %eq3A_329 = vector.broadcast %eq3A_328 : i32 to vector<16xi32>
      %eq3A_330 = arith.cmpi eq, %iota3A, %eq3A_329 : vector<16xi32>
      %jit3A_331 = arith.constant 0.000000e+00 : f32
      %broadcast_in_dim3A_332 = vector.broadcast %jit3A_331 : f32 to vector<16xf32>
      %select_n3A_333 = arith.select %eq3A_330, %div3A_327, %broadcast_in_dim3A_332 : vector<16xi1>, vector<16xf32>
      %swap3A_334 = arith.constant 0 : index
      %swap3A_335 = tpu.vector_load %arg18[%swap3A_334] {strides = array<i32>} : memref<16xf32, #tpu.memory_space<vmem>>, vector<16xf32>,
      tpu.vector_store %arg18[%swap3A_334], %select_n3A_333 {strides = array<i32>} : memref<16xf32, #tpu.memory_space<vmem>>, vector<16xf32>,
      "tpu.region"() ({
        %run_scoped3A = tpu.sem_alloc : memref<!tpu.dma_semaphore, #tpu.memory_space<semaphore_mem>>
        tpu.enqueue_dma source(%arg18 : memref<16xf32, #tpu.memory_space<vmem>>) target(%arg5 : memref<16xf32, #tpu.memory_space<hbm>>) target_semaphore(%run_scoped3A : memref<!tpu.dma_semaphore, #tpu.memory_space<semaphore_mem>>)
        tpu.wait_dma2 semaphore(%run_scoped3A : memref<!tpu.dma_semaphore, #tpu.memory_space<semaphore_mem>>) src(%arg18 : memref<16xf32, #tpu.memory_space<vmem>>) dst(%arg5 : memref<16xf32, #tpu.memory_space<hbm>>)
        tpu.yield
      }) : () -> ()
    } else {
    }
    return
  }
}

module attributes {stable_mosaic.version = 14 : i64} {
  func.func @_dense_kernel(%arg0: i32, %arg1: i32, %arg2: memref<1x21x8832xbf16, #tpu.memory_space<vmem>>, %arg3: memref<1x21x8832xbf16, #tpu.memory_space<vmem>>, %arg4: memref<1x43x8832xbf16, #tpu.memory_space<vmem>>, %arg5: memref<1x1x8832xf32, #tpu.memory_space<vmem>>, %arg6: memref<1x1x8832xi32, #tpu.memory_space<vmem>>, %arg7: memref<1x8x128xf32, #tpu.memory_space<vmem>>) attributes {dimension_semantics = [#tpu.dimension_semantics<arbitrary>, #tpu.dimension_semantics<arbitrary>], iteration_bounds = array<i64: 32, 1>, scalar_prefetch = 0 : i64, scratch_operands = 0 : i64, tpu.core_type = #tpu.core_type<tc>, window_params = [{transform_indices = @transform_0, window_bounds = array<i64: 1, 21, 8832>}, {transform_indices = @transform_1, window_bounds = array<i64: 1, 21, 8832>}, {transform_indices = @transform_2, window_bounds = array<i64: 1, 43, 8832>}, {transform_indices = @transform_3, window_bounds = array<i64: 1, 1, 8832>}, {transform_indices = @transform_4, window_bounds = array<i64: 1, 1, 8832>}, {transform_indices = @transform_5, window_bounds = array<i64: 1, 8, 128>}]} {
    %get3A = arith.constant 0 : index
    %get3A_0 = arith.constant 0 : index
    %get3A_1 = arith.constant 0 : index
    %get3A_2 = vector.load %arg2[%get3A, %get3A_0, %get3A_1] : memref<1x21x8832xbf16, #tpu.memory_space<vmem>>, vector<1x21x8832xbf16>
    %get3A_3 = vector.shape_cast %get3A_2 : vector<1x21x8832xbf16> to vector<21x8832xbf16>
    %convert_element_type3A = arith.extf %get3A_3 : vector<21x8832xbf16> to vector<21x8832xf32>
    %get3A_4 = arith.constant 0 : index
    %get3A_5 = arith.constant 0 : index
    %get3A_6 = arith.constant 0 : index
    %get3A_7 = vector.load %arg3[%get3A_4, %get3A_5, %get3A_6] : memref<1x21x8832xbf16, #tpu.memory_space<vmem>>, vector<1x21x8832xbf16>
    %get3A_8 = vector.shape_cast %get3A_7 : vector<1x21x8832xbf16> to vector<21x8832xbf16>
    %convert_element_type3A_9 = arith.extf %get3A_8 : vector<21x8832xbf16> to vector<21x8832xf32>
    %get3A_10 = arith.constant 0 : index
    %get3A_11 = arith.constant 0 : index
    %get3A_12 = arith.constant 0 : index
    %get3A_13 = vector.load %arg4[%get3A_10, %get3A_11, %get3A_12] : memref<1x43x8832xbf16, #tpu.memory_space<vmem>>, vector<1x43x8832xbf16>
    %get3A_14 = vector.shape_cast %get3A_13 : vector<1x43x8832xbf16> to vector<43x8832xbf16>
    %convert_element_type3A_15 = arith.extf %get3A_14 : vector<43x8832xbf16> to vector<43x8832xf32>
    %reduce_max3A = arith.constant dense<0xFF800000> : vector<8832xf32>
    %reduce_max3A_16 = vector.multi_reduction <maximumf>, %convert_element_type3A_9, %reduce_max3A [0] : vector<21x8832xf32> to vector<8832xf32>
    %broadcast_in_dim3A = vector.shape_cast %reduce_max3A_16 : vector<8832xf32> to vector<1x8832xf32>
    %sub3A = vector.broadcast %broadcast_in_dim3A : vector<1x8832xf32> to vector<21x8832xf32>
    %sub3A_17 = arith.subf %convert_element_type3A_9, %sub3A : vector<21x8832xf32>
    %exp3A = math.exp %sub3A_17 : vector<21x8832xf32>
    %reduce_sum3A = arith.constant dense<0.000000e+00> : vector<8832xf32>
    %reduce_sum3A_18 = vector.multi_reduction <add>, %exp3A, %reduce_sum3A [0] : vector<21x8832xf32> to vector<8832xf32>
    %broadcast_in_dim3A_19 = vector.shape_cast %reduce_sum3A_18 : vector<8832xf32> to vector<1x8832xf32>
    %sub3A_20 = vector.broadcast %broadcast_in_dim3A : vector<1x8832xf32> to vector<21x8832xf32>
    %sub3A_21 = arith.subf %convert_element_type3A_9, %sub3A_20 : vector<21x8832xf32>
    %log3A = math.log %broadcast_in_dim3A_19 : vector<1x8832xf32>
    %sub3A_22 = vector.broadcast %log3A : vector<1x8832xf32> to vector<21x8832xf32>
    %sub3A_23 = arith.subf %sub3A_21, %sub3A_22 : vector<21x8832xf32>
    %log3A_24 = arith.constant 1.000000e-07 : f32
    %log3A_25 = math.log %log3A_24 : f32
    %max3A = vector.broadcast %log3A_25 : f32 to vector<21x8832xf32>
    %max3A_26 = arith.maximumf %sub3A_23, %max3A : vector<21x8832xf32>
    %slice3A = vector.extract_strided_slice %convert_element_type3A_15 {offsets = [4, 0], sizes = [17, 8832], strides = [1, 1]} : vector<43x8832xf32> to vector<17x8832xf32>
    %slice3A_27 = vector.extract_strided_slice %convert_element_type3A_15 {offsets = [21, 0], sizes = [21, 8832], strides = [1, 1]} : vector<43x8832xf32> to vector<21x8832xf32>
    %slice3A_28 = vector.extract_strided_slice %convert_element_type3A {offsets = [4, 0], sizes = [17, 8832], strides = [1, 1]} : vector<21x8832xf32> to vector<17x8832xf32>
    %max3A_29 = arith.constant 1.000000e-07 : f32
    %max3A_30 = vector.broadcast %max3A_29 : f32 to vector<17x8832xf32>
    %max3A_31 = arith.maximumf %slice3A_28, %max3A_30 : vector<17x8832xf32>
    %log3A_32 = math.log %max3A_31 : vector<17x8832xf32>
    %mul3A = arith.mulf %slice3A, %log3A_32 : vector<17x8832xf32>
    %reduce_sum3A_33 = arith.constant dense<0.000000e+00> : vector<8832xf32>
    %reduce_sum3A_34 = vector.multi_reduction <add>, %mul3A, %reduce_sum3A_33 [0] : vector<17x8832xf32> to vector<8832xf32>
    %mul3A_35 = arith.mulf %slice3A_27, %max3A_26 : vector<21x8832xf32>
    %reduce_sum3A_36 = arith.constant dense<0.000000e+00> : vector<8832xf32>
    %reduce_sum3A_37 = vector.multi_reduction <add>, %mul3A_35, %reduce_sum3A_36 [0] : vector<21x8832xf32> to vector<8832xf32>
    %add3A = arith.addf %reduce_sum3A_34, %reduce_sum3A_37 : vector<8832xf32>
    %neg3A = arith.constant 0.000000e+00 : f32
    %neg3A_38 = vector.broadcast %neg3A : f32 to vector<8832xf32>
    %neg3A_39 = arith.subf %neg3A_38, %add3A : vector<8832xf32>
    %slice3A_40 = vector.extract_strided_slice %convert_element_type3A_15 {offsets = [0, 0], sizes = [4, 8832], strides = [1, 1]} : vector<43x8832xf32> to vector<4x8832xf32>
    %slice3A_41 = vector.extract_strided_slice %convert_element_type3A {offsets = [0, 0], sizes = [4, 8832], strides = [1, 1]} : vector<21x8832xf32> to vector<4x8832xf32>
    %sub3A_42 = arith.subf %slice3A_40, %slice3A_41 : vector<4x8832xf32>
    %abs3A = math.absf %sub3A_42 : vector<4x8832xf32>
    %lt3A = arith.constant 1.000000e+00 : f32
    %lt3A_43 = vector.broadcast %lt3A : f32 to vector<4x8832xf32>
    %lt3A_44 = arith.cmpf olt, %abs3A, %lt3A_43 : vector<4x8832xf32>
    %mul3A_45 = arith.constant 5.000000e-01 : f32
    %mul3A_46 = vector.broadcast %mul3A_45 : f32 to vector<4x8832xf32>
    %mul3A_47 = arith.mulf %mul3A_46, %sub3A_42 : vector<4x8832xf32>
    %mul3A_48 = arith.mulf %mul3A_47, %sub3A_42 : vector<4x8832xf32>
    %sub3A_49 = arith.constant 5.000000e-01 : f32
    %sub3A_50 = vector.broadcast %sub3A_49 : f32 to vector<4x8832xf32>
    %sub3A_51 = arith.subf %abs3A, %sub3A_50 : vector<4x8832xf32>
    %select_n3A = arith.select %lt3A_44, %mul3A_48, %sub3A_51 : vector<4x8832xi1>, vector<4x8832xf32>
    %reduce_sum3A_52 = arith.constant dense<0.000000e+00> : vector<8832xf32>
    %reduce_sum3A_53 = vector.multi_reduction <add>, %select_n3A, %reduce_sum3A_52 [0] : vector<4x8832xf32> to vector<8832xf32>
    %slice3A_54 = vector.extract_strided_slice %convert_element_type3A_15 {offsets = [42, 0], sizes = [1, 8832], strides = [1, 1]} : vector<43x8832xf32> to vector<1x8832xf32>
    %squeeze3A = vector.shape_cast %slice3A_54 : vector<1x8832xf32> to vector<8832xf32>
    %slice3A_55 = vector.extract_strided_slice %convert_element_type3A {offsets = [5, 0], sizes = [16, 8832], strides = [1, 1]} : vector<21x8832xf32> to vector<16x8832xf32>
    %reduce_sum3A_56 = arith.constant dense<0.000000e+00> : vector<8832xf32>
    %reduce_sum3A_57 = vector.multi_reduction <add>, %slice3A_55, %reduce_sum3A_56 [0] : vector<16x8832xf32> to vector<8832xf32>
    %slice3A_58 = vector.extract_strided_slice %exp3A {offsets = [0, 0], sizes = [4, 8832], strides = [1, 1]} : vector<21x8832xf32> to vector<4x8832xf32>
    %reduce_sum3A_59 = arith.constant dense<0.000000e+00> : vector<8832xf32>
    %reduce_sum3A_60 = vector.multi_reduction <add>, %slice3A_58, %reduce_sum3A_59 [0] : vector<4x8832xf32> to vector<8832xf32>
    %squeeze3A_61 = vector.shape_cast %broadcast_in_dim3A_19 : vector<1x8832xf32> to vector<8832xf32>
    %div3A = arith.divf %reduce_sum3A_60, %squeeze3A_61 : vector<8832xf32>
    %add3A_62 = arith.addf %reduce_sum3A_57, %div3A : vector<8832xf32>
    %sub3A_63 = arith.constant 1.000000e+00 : f32
    %sub3A_64 = vector.broadcast %sub3A_63 : f32 to vector<8832xf32>
    %sub3A_65 = arith.subf %sub3A_64, %squeeze3A : vector<8832xf32>
    %mul3A_66 = arith.mulf %add3A_62, %sub3A_65 : vector<8832xf32>
    %bitcast_convert_type3A = tpu.bitcast %mul3A_66 : vector<8832xf32> -> vector<8832xi32>
    %ge3A = arith.constant 0 : i32
    %ge3A_67 = vector.broadcast %ge3A : i32 to vector<8832xi32>
    %ge3A_68 = arith.cmpi sge, %bitcast_convert_type3A, %ge3A_67 : vector<8832xi32>
    %xor3A = arith.constant 2147483647 : i32
    %xor3A_69 = vector.broadcast %xor3A : i32 to vector<8832xi32>
    %xor3A_70 = arith.xori %bitcast_convert_type3A, %xor3A_69 : vector<8832xi32>
    %select_n3A_71 = arith.select %ge3A_68, %bitcast_convert_type3A, %xor3A_70 : vector<8832xi1>, vector<8832xi32>
    %swap3A = arith.constant 0 : index
    %swap3A_72 = arith.constant 0 : index
    %swap3A_73 = arith.constant 0 : index
    %swap3A_74 = vector.load %arg5[%swap3A, %swap3A_72, %swap3A_73] : memref<1x1x8832xf32, #tpu.memory_space<vmem>>, vector<1x1x8832xf32>
    %swap3A_75 = vector.shape_cast %swap3A_74 : vector<1x1x8832xf32> to vector<8832xf32>
    %swap3A_76 = vector.shape_cast %neg3A_39 : vector<8832xf32> to vector<1x1x8832xf32>
    tpu.vector_store %arg5[%swap3A, %swap3A_72, %swap3A_73], %swap3A_76 {strides = array<i32>} : memref<1x1x8832xf32, #tpu.memory_space<vmem>>, vector<1x1x8832xf32>,
    %swap3A_77 = arith.constant 0 : index
    %swap3A_78 = arith.constant 0 : index
    %swap3A_79 = arith.constant 0 : index
    %swap3A_80 = vector.load %arg6[%swap3A_77, %swap3A_78, %swap3A_79] : memref<1x1x8832xi32, #tpu.memory_space<vmem>>, vector<1x1x8832xi32>
    %swap3A_81 = vector.shape_cast %swap3A_80 : vector<1x1x8832xi32> to vector<8832xi32>
    %swap3A_82 = vector.shape_cast %select_n3A_71 : vector<8832xi32> to vector<1x1x8832xi32>
    tpu.vector_store %arg6[%swap3A_77, %swap3A_78, %swap3A_79], %swap3A_82 {strides = array<i32>} : memref<1x1x8832xi32, #tpu.memory_space<vmem>>, vector<1x1x8832xi32>,
    %iota3A = tpu.iota {dimensions = array<i32: 1>} : vector<1x8832xi32>
    %iota3A_83 = vector.shape_cast %iota3A : vector<1x8832xi32> to vector<8832xi32>
    %mul3A_84 = arith.constant 8832 : i32
    %mul3A_85 = arith.muli %arg1, %mul3A_84 : i32
    %sub3A_86 = arith.constant 8732 : i32
    %sub3A_87 = arith.subi %sub3A_86, %mul3A_85 : i32
    %lt3A_88 = vector.broadcast %sub3A_87 : i32 to vector<8832xi32>
    %lt3A_89 = arith.cmpi slt, %iota3A_83, %lt3A_88 : vector<8832xi32>
    %mul3A_90 = arith.mulf %neg3A_39, %squeeze3A : vector<8832xf32>
    %jit3A = arith.constant 0.000000e+00 : f32
    %broadcast_in_dim3A_91 = vector.broadcast %jit3A : f32 to vector<8832xf32>
    %select_n3A_92 = arith.select %lt3A_89, %mul3A_90, %broadcast_in_dim3A_91 : vector<8832xi1>, vector<8832xf32>
    %reshape3A = vector.shape_cast %select_n3A_92 : vector<8832xf32> to vector<69x128xf32>
    %reduce_sum3A_93 = arith.constant dense<0.000000e+00> : vector<128xf32>
    %reduce_sum3A_94 = vector.multi_reduction <add>, %reshape3A, %reduce_sum3A_93 [0] : vector<69x128xf32> to vector<128xf32>
    %mul3A_95 = arith.mulf %reduce_sum3A_53, %squeeze3A : vector<8832xf32>
    %jit3A_96 = arith.constant 0.000000e+00 : f32
    %broadcast_in_dim3A_97 = vector.broadcast %jit3A_96 : f32 to vector<8832xf32>
    %select_n3A_98 = arith.select %lt3A_89, %mul3A_95, %broadcast_in_dim3A_97 : vector<8832xi1>, vector<8832xf32>
    %reshape3A_99 = vector.shape_cast %select_n3A_98 : vector<8832xf32> to vector<69x128xf32>
    %reduce_sum3A_100 = arith.constant dense<0.000000e+00> : vector<128xf32>
    %reduce_sum3A_101 = vector.multi_reduction <add>, %reshape3A_99, %reduce_sum3A_100 [0] : vector<69x128xf32> to vector<128xf32>
    %jit3A_102 = arith.constant 0.000000e+00 : f32
    %broadcast_in_dim3A_103 = vector.broadcast %jit3A_102 : f32 to vector<8832xf32>
    %select_n3A_104 = arith.select %lt3A_89, %squeeze3A, %broadcast_in_dim3A_103 : vector<8832xi1>, vector<8832xf32>
    %reshape3A_105 = vector.shape_cast %select_n3A_104 : vector<8832xf32> to vector<69x128xf32>
    %reduce_sum3A_106 = arith.constant dense<0.000000e+00> : vector<128xf32>
    %reduce_sum3A_107 = vector.multi_reduction <add>, %reshape3A_105, %reduce_sum3A_106 [0] : vector<69x128xf32> to vector<128xf32>
    %broadcast_in_dim3A_108 = vector.shape_cast %reduce_sum3A_94 : vector<128xf32> to vector<1x128xf32>
    %broadcast_in_dim3A_109 = vector.shape_cast %reduce_sum3A_101 : vector<128xf32> to vector<1x128xf32>
    %broadcast_in_dim3A_110 = vector.shape_cast %reduce_sum3A_107 : vector<128xf32> to vector<1x128xf32>
    %broadcast_in_dim3A_111 = arith.constant 0.000000e+00 : f32
    %broadcast_in_dim3A_112 = vector.broadcast %broadcast_in_dim3A_111 : f32 to vector<5x128xf32>
    %concatenate3A = tpu.concatenate %broadcast_in_dim3A_108, %broadcast_in_dim3A_109, %broadcast_in_dim3A_110, %broadcast_in_dim3A_112 in 0 : vector<1x128xf32>, vector<1x128xf32>, vector<1x128xf32>, vector<5x128xf32> -> vector<8x128xf32>
    %eq3A = arith.constant 0 : i32
    %eq3A_113 = arith.cmpi eq, %arg1, %eq3A : i32
    %convert_element_type3A_114 = arith.extui %eq3A_113 : i1 to i32
    %cond3A = arith.constant 0 : i32
    %cond3A_115 = arith.cmpi ne, %convert_element_type3A_114, %cond3A : i32
    scf.if %cond3A_115 {
      %swap3A_120 = arith.constant 0 : index
      %swap3A_121 = arith.constant 0 : index
      %swap3A_122 = arith.constant 0 : index
      %swap3A_123 = vector.load %arg7[%swap3A_120, %swap3A_121, %swap3A_122] : memref<1x8x128xf32, #tpu.memory_space<vmem>>, vector<1x8x128xf32>
      %swap3A_124 = vector.shape_cast %swap3A_123 : vector<1x8x128xf32> to vector<8x128xf32>
      %swap3A_125 = vector.shape_cast %concatenate3A : vector<8x128xf32> to vector<1x8x128xf32>
      tpu.vector_store %arg7[%swap3A_120, %swap3A_121, %swap3A_122], %swap3A_125 {strides = array<i32>} : memref<1x8x128xf32, #tpu.memory_space<vmem>>, vector<1x8x128xf32>,
    } else {
    }
    %ne3A = arith.constant 0 : i32
    %ne3A_116 = arith.cmpi ne, %arg1, %ne3A : i32
    %convert_element_type3A_117 = arith.extui %ne3A_116 : i1 to i32
    %cond3A_118 = arith.constant 0 : i32
    %cond3A_119 = arith.cmpi ne, %convert_element_type3A_117, %cond3A_118 : i32
    scf.if %cond3A_119 {
      %get3A_120 = arith.constant 0 : index
      %get3A_121 = arith.constant 0 : index
      %get3A_122 = arith.constant 0 : index
      %get3A_123 = vector.load %arg7[%get3A_120, %get3A_121, %get3A_122] : memref<1x8x128xf32, #tpu.memory_space<vmem>>, vector<1x8x128xf32>
      %get3A_124 = vector.shape_cast %get3A_123 : vector<1x8x128xf32> to vector<8x128xf32>
      %add3A_125 = arith.addf %get3A_124, %concatenate3A : vector<8x128xf32>
      %swap3A_126 = arith.constant 0 : index
      %swap3A_127 = arith.constant 0 : index
      %swap3A_128 = arith.constant 0 : index
      %swap3A_129 = vector.load %arg7[%swap3A_126, %swap3A_127, %swap3A_128] : memref<1x8x128xf32, #tpu.memory_space<vmem>>, vector<1x8x128xf32>
      %swap3A_130 = vector.shape_cast %swap3A_129 : vector<1x8x128xf32> to vector<8x128xf32>
      %swap3A_131 = vector.shape_cast %add3A_125 : vector<8x128xf32> to vector<1x8x128xf32>
      tpu.vector_store %arg7[%swap3A_126, %swap3A_127, %swap3A_128], %swap3A_131 {strides = array<i32>} : memref<1x8x128xf32, #tpu.memory_space<vmem>>, vector<1x8x128xf32>,
    } else {
    }
    return
  }
  func.func @transform_0(%arg0: i32, %arg1: i32) -> (i32, i32, i32) {
    %c0_i32 = arith.constant 0 : i32
    %c0_i32_0 = arith.constant 0 : i32
    return %arg0, %c0_i32, %arg1 : i32, i32, i32
  }
  func.func @transform_1(%arg0: i32, %arg1: i32) -> (i32, i32, i32) {
    %c0_i32 = arith.constant 0 : i32
    %c0_i32_0 = arith.constant 0 : i32
    return %arg0, %c0_i32, %arg1 : i32, i32, i32
  }
  func.func @transform_2(%arg0: i32, %arg1: i32) -> (i32, i32, i32) {
    %c0_i32 = arith.constant 0 : i32
    %c0_i32_0 = arith.constant 0 : i32
    return %arg0, %c0_i32, %arg1 : i32, i32, i32
  }
  func.func @transform_3(%arg0: i32, %arg1: i32) -> (i32, i32, i32) {
    %c0_i32 = arith.constant 0 : i32
    %c0_i32_0 = arith.constant 0 : i32
    return %arg0, %c0_i32, %arg1 : i32, i32, i32
  }
  func.func @transform_4(%arg0: i32, %arg1: i32) -> (i32, i32, i32) {
    %c0_i32 = arith.constant 0 : i32
    %c0_i32_0 = arith.constant 0 : i32
    return %arg0, %c0_i32, %arg1 : i32, i32, i32
  }
  func.func @transform_5(%arg0: i32, %arg1: i32) -> (i32, i32, i32) {
    %c0_i32 = arith.constant 0 : i32
    %c0_i32_0 = arith.constant 0 : i32
    %c0_i32_1 = arith.constant 0 : i32
    return %arg0, %c0_i32, %c0_i32_0 : i32, i32, i32
  }
}

</mosaic_0001>

<sc_bundles>
// kernel: kernel.4.cloned.1.call-start
scs
__scs_entry_jumppad:
0x0: {  	(pc) =	sbr.rel $0x88, $3  }
0x1: {  	(tag) =	ssettag $0x0;
	lr =	simm.s32 $0x1  }
0x2: {  	[smem:$0x3F9F] =	sst lr;
	_ =	strace $0xD0000000  }
0x3: {  	_ = 	snop  }
0x4: {  	_ = 	snop  }
0x5: {  	_ = 	snop  }
0x6: {  	_ = 	snop  }
0x7: {  	_ = 	snop  }
__scs_overlays_trampoline_lowered:
0x8: {  	[smem:$0x3FAE] =	sst s0  }
0x9: {  	[smem:$0x3FAF] =	sst s1  }
0xa: {  	[smem:$0x3FB0] =	sst s2  }
0xb: {  	[smem:$0x3FB1] =	sst s3  }
0xc: {  	[smem:$0x3FB2] =	sst s4  }
0xd: {  	[smem:$0x3FB3] =	sst s5  }
0xe: {  	[smem:$0x3FB4] =	sst s6  }
0xf: {  	[smem:$0x3FB5] =	sst s7  }
0x10: {  	[smem:$0x3FB6] =	sst s8  }
0x11: {  	[smem:$0x3FB7] =	sst s9;
	s0 =	simm.s32 @!p0 $0x0  }
0x12: {  	s1 =	sld [smem:$0x3F9D];
	s0 =	simm.s32 @p0 $0x1  }
0x13: {  	[smem:$0x3FB8] =	sst s0;
	s0 =	simm.s32 @!p1 $0x0  }
0x14: {  	s2 =	sld [smem:$0x3F9C];
	s0 =	simm.s32 @p1 $0x1  }
0x15: {  	[smem:$0x3FB9] =	sst s0;
	s0 =	simm.s32 @!p2 $0x0  }
0x16: {  	s3 =	sld [smem:$0x3FDB];
	s0 =	simm.s32 @p2 $0x1  }
0x17: {  	s4 =	simm.s32 $0x1BF5;
	[smem:$0x3FBB] =	sst s0  }
0x18: {  	s0 =	sld [smem:$0x3F9E];
	_ =	swait.ge [sflag:s4], $0x0  }
0x19: {  	s7 =	sld [smem:$0x3F9F]  }
0x1a: {  	s8 =	sadd.s32 $0xFFFFE003, lr  }
0x1b: {  	s9 =	sadd.s32 $0xFFFFFEF7, lr;
	s5 =	simm.s32 $0xFFFFFFFF;
	p2 =	slt.u32 s8, $0xFFFFF086  }
0x1c: {  	p1 =	slt.u32 s9, $0xF7A;
	s5 =	simm.s32 @!p2 $0x0  }
0x1d: {  	s5 =	simm.s32 @p1 $0x1;
	p0 =	seq.s32 s7, s2  }
0x1e: {  	s7 =	smul.u32 @!p0 $0xF7A, s2;
	p2 =	seq.s32 @!p0 s5, $0x0  }
0x1f: {  	s9 =	smul.u32 $0xF7A, s1;
	s8 =	simm.s32 @!p0 $0x1BF5;
	p2 =	por !p2, p0  }
0x20: {  	[sflag:s8] =	ssyncset.s32 @!p0 $0xFFFFF086;
	s6 =	sadd.s32 @!p0 s3, s7;
	s7 =	simm.s32 @!p0 $0x108  }
0x21: {  	s3 =	sadd.s32 s3, s9;
	s6 =	sadd.s32 @!p0 $0x88, s6;
	s7 =	simm.s32 @p2 $0x1082  }
0x22: {  	[simem:s7], [sflag:s8] =	dma.local @!p0 [hbm:s6], $0xF7A  }
0x23: {  	s9 =	sor.u32 $0xD0000000, s2;
	s6 =	simm.s32 $0x108;
	_ =	swait.ge @!p0 [sflag:s8], $0x0  }
0x24: {  	s3 =	sadd.s32 $0x88, s3;
	s6 =	simm.s32 @!p1 $0x1082;
	[sflag:s4] =	ssyncset.s32 $0xFFFFF086  }
0x25: {  	[simem:s6], [sflag:s4] =	dma.local [hbm:s3], $0xF7A  }
0x26: {  	[smem:$0x3F9F] =	sst s1;
	(tag) =	ssettag s2;
	_ =	strace s9  }
0x27: {  	s1 =	sld [smem:$0x3FAF]  }
0x28: {  	s2 =	sld [smem:$0x3FB0]  }
0x29: {  	s4 =	sld [smem:$0x3FB2]  }
0x2a: {  	p0 =	seq.s32 s5, $0x0;
	s5 =	sld [smem:$0x3FB3]  }
0x2b: {  	s6 =	sld [smem:$0x3FB4]  }
0x2c: {  	s7 =	sld [smem:$0x3FB5]  }
0x2d: {  	s3 =	simm.s32 $0x108;
	s8 =	sld [smem:$0x3FB6]  }
0x2e: {  	s3 =	simm.s32 @!p0 $0x1082;
	s9 =	sld [smem:$0x3FB7]  }
0x2f: {  	lr =	sadd.s32 s0, s3;
	s0 =	sld [smem:$0x3FAE]  }
0x30: {  	s3 =	sld [smem:$0x3FB1]  }
0x31: {  	[smem:$0x3FBA] =	sst s10  }
0x32: {  	s10 =	sld [smem:$0x3FB8];
	_ =	sdelay $0x3  }
0x33: {  	p0 =	seq.s32 s10, $0x1;
	s10 =	sld [smem:$0x3FBA];
	_ =	sdelay $0x3  }
0x34: {  	[smem:$0x3FBA] =	sst s10  }
0x35: {  	s10 =	sld [smem:$0x3FB9];
	_ =	sdelay $0x3  }
0x36: {  	p1 =	seq.s32 s10, $0x1;
	s10 =	sld [smem:$0x3FBA];
	_ =	sdelay $0x3  }
0x37: {  	[smem:$0x3FBA] =	sst s10  }
0x38: {  	s10 =	sld [smem:$0x3FBB]  }
0x39: {  	_ = 	snop;
	(pc) =	sbr.ind lr, $3  }
0x3a: {  	_ = 	snop  }
0x3b: {  	_ = 	snop  }
0x3c: {  	p2 =	seq.s32 s10, $0x1;
	s10 =	sld [smem:$0x3FBA]  }
0x3d: {  	_ =	shalt  }
0x3e: {  	_ =	shalt  }
0x3f: {  	_ =	shalt  }
0x40: {  	_ =	shalt  }
0x41: {  	_ =	shalt  }
0x42: {  	_ =	shalt  }
0x43: {  	_ =	shalt  }
0x44: {  	_ =	shalt  }
0x45: {  	_ =	shalt  }
0x46: {  	_ =	shalt  }
0x47: {  	_ =	shalt  }
0x48: {  	_ =	shalt  }
0x49: {  	_ =	shalt  }
0x4a: {  	_ =	shalt  }
0x4b: {  	_ =	shalt  }
0x4c: {  	_ =	shalt  }
0x4d: {  	_ =	shalt  }
0x4e: {  	_ =	shalt  }
0x4f: {  	_ =	shalt  }
0x50: {  	_ =	shalt  }
0x51: {  	_ =	shalt  }
0x52: {  	_ =	shalt  }
0x53: {  	_ =	shalt  }
0x54: {  	_ =	shalt  }
0x55: {  	_ =	shalt  }
0x56: {  	_ =	shalt  }
0x57: {  	_ =	shalt  }
0x58: {  	_ =	shalt  }
0x59: {  	_ =	shalt  }
0x5a: {  	_ =	shalt  }
0x5b: {  	_ =	shalt  }
0x5c: {  	_ =	shalt  }
0x5d: {  	_ =	shalt  }
0x5e: {  	_ =	shalt  }
0x5f: {  	_ =	shalt  }
0x60: {  	_ =	shalt  }
0x61: {  	_ =	shalt  }
0x62: {  	_ =	shalt  }
0x63: {  	_ =	shalt  }
0x64: {  	_ =	shalt  }
0x65: {  	_ =	shalt  }
0x66: {  	_ =	shalt  }
0x67: {  	_ =	shalt  }
0x68: {  	_ =	shalt  }
0x69: {  	_ =	shalt  }
0x6a: {  	_ =	shalt  }
0x6b: {  	_ =	shalt  }
0x6c: {  	_ =	shalt  }
0x6d: {  	_ =	shalt  }
0x6e: {  	_ =	shalt  }
0x6f: {  	_ =	shalt  }
0x70: {  	_ =	shalt  }
0x71: {  	_ =	shalt  }
0x72: {  	_ =	shalt  }
0x73: {  	_ =	shalt  }
0x74: {  	_ =	shalt  }
0x75: {  	_ =	shalt  }
0x76: {  	_ =	shalt  }
0x77: {  	_ =	shalt  }
0x78: {  	_ =	shalt  }
0x79: {  	_ =	shalt  }
0x7a: {  	_ =	shalt  }
0x7b: {  	_ =	shalt  }
0x7c: {  	_ =	shalt  }
0x7d: {  	_ =	shalt  }
0x7e: {  	_ =	shalt  }
0x7f: {  	_ =	shalt  }
0x80: {  	_ =	shalt  }
0x81: {  	_ =	shalt  }
0x82: {  	_ =	shalt  }
0x83: {  	_ =	shalt  }
0x84: {  	_ =	shalt  }
0x85: {  	_ =	shalt  }
0x86: {  	_ =	shalt  }
0x87: {  	_ =	shalt  }
.Lfunc_end0:
.L_simem_size_0:
called_computation_lowered:
.L_overlay_start_0:
0x88: {  	s0 =	sld [smem:$0x3FD9]  }
0x89: {  	s1 =	sld [smem:$0x3FFE];
	_ =	sdelay $0x3  }
0x8a: {  	s0 =	sadd.s32 s1, s0  }
0x8b: {  	[smem:$0x3FC6] =	sst s0  }
0x8c: {  	_ = 	snop  }
0x8d: {  	s0 =	sld [smem:$0x3FD0];
	(tm) =	ssettm $0x1  }
0x8e: {  	s16 =	sld [smem:$0x3FFB];
	_ =	sdelay $0x3  }
0x8f: {  	_ =	strace s16  }
0x90: {  	s1 =	sld [smem:$0x3FFC];
	_ =	sdelay $0x3  }
0x91: {  	_ =	strace s1  }
0x92: {  	s1 =	sld [smem:$0x3FFD];
	_ =	sdelay $0x3  }
0x93: {  	_ =	strace s1  }
0x94: {  	_ =	strace $0x8FFFFFFF  }
0x95: {  	s17 =	sld [smem:$0x3FDB];
	_ =	sdelay $0x1  }
0x96: {  	s2 =	simm.s32 $_scs_section_size  }
0x97: {  	s3 =	simm.s32 $_size__tile_overlayer_lowered;
	s4 =	simm.s32 $_tile_overlayer_lowered  }
0x98: {  	s20 =	simm.s32 $0x1BFF;
	s19 =	sshll.u32 s4, $0x1;
	s1 =	sadd.s32 s2, s17  }
0x99: {  	s5 =	simm.s32 $0x0;
	s18 =	sshll.u32 s3, $0x1;
	s3 =	sadd.s32 s19, s1  }
0x9a: {  	[timem:s5], [sflag:s20] =	dma.local [hbm:s3], s18  }
0x9b: {  	_ =	swait.ge [sflag:s20], s18  }
0x9c: {  	s2 =	ssub.s32 $0x0, s18;
	[sflag:s20] =	ssyncset.done $0x0  }
0x9d: {  	[sflag:s20] =	ssyncadd.s32 s2;
	_ =	sdelay $0x1  }
0x9e: {  	s21 =	simm.s32 $0x1B8B  }
0x9f: {  	_ =	swait.ge [sflag:s21], $0x1  }
0xa0: {  	[sflag:s21] =	ssyncset.done $0x0  }
0xa1: {  	s23 =	simm.s32 $0x1B8E;
	s22 =	sld [smem:$0x3FFE];
	[sflag:s21] =	ssyncadd.s32 $0xFFFFFFFF  }
0xa2: {  	s24 =	simm.s32 $execute0_lowered;
	[smem:$0x3FD2] =	sst s23  }
0xa3: {  	s3 =	sshll.u32 s24, $0x1;
	_ =	strace $0x80000046;
	[dreg:$0x1] =	wrdreg $0xFFFFFFFF  }
0xa4: {  	s25 =	simm.s32 $_size_execute0_lowered;
	s1 =	sadd.s32 s1, s3;
	[dreg:$0x0] =	wrdreg $0x0  }
0xa5: {  	s3 =	sshll.u32 s25, $0x1;
	[dreg:$0x2] =	wrdreg s1  }
0xa6: {  	[dreg:$0x3] =	wrdreg s3  }
0xa7: {  	[dreg:$0x4] =	wrdreg $0xC0  }
0xa8: {  	_ =	task [dreg:s5], $0x5FFFF  }
0xa9: {  	[dreg:$0x1] =	wrdreg $0xFFFFFFFF  }
0xaa: {  	[dreg:$0x0] =	wrdreg $0x60  }
0xab: {  	[dreg:$0x2] =	wrdreg s22  }
0xac: {  	[dreg:$0x3] =	wrdreg s0  }
0xad: {  	[dreg:$0x4] =	wrdreg $0xAF800  }
0xae: {  	[dreg:$0x5] =	wrdreg $0xB1800  }
0xaf: {  	[dreg:$0x6] =	wrdreg $0x9  }
0xb0: {  	_ =	task.clear_ibuf [dreg:s5], $0x7FFFF;
	_ =	strace $0x90000046  }
0xb1: {  	s26 =	simm.s32 $0x9;
	_ =	strace $0x80000048  }
0xb2: {  	_ =	swait.ge [sflag:s26], $0x1  }
0xb3: {  	[sflag:s26] =	ssyncadd.s32 $0xFFFFFFFF  }
0xb4: {  	_ =	strace $0x90000048  }
0xb5: {  	_ =	sfence  }
0xb6: {  	s28 =	sld [smem:$0x0];
	_ =	sdelay $0x1  }
0xb7: {  	s29 =	srdreg.scid  }
0xb8: {  	s30 =	sshll.u32 s29, $0xD;
	s31 =	sshrl.u32 s29, $0x2  }
0xb9: {  	s2 =	sand.u32 $0x4000, s30;
	s1 =	sand.u32 $0x1, s29;
	s0 =	sadd.s32 s31, s28  }
0xba: {  	s1 =	sor.u32 s2, s1;
	s0 =	sshll.u32 s0, $0x11  }
0xbb: {  	s0 =	sor.u32 s0, s1  }
0xbc: {  	s0 =	sadd.s32 $0x8F2B, s0  }
0xbd: {  	[sflag:s0] =	ssyncadd.remote.s32 $0x1  }
0xbe: {  	_ =	sfence.sel $0xFFFF  }
0xbf: {  	[dreg:$0x0] =	wrdreg $0xFFFFFFFF;
	(pc) =	sbr.abs _section_cstart, $3  }
0xc0: {  	[dreg:$0x1] =	wrdreg $0xFFFFFFFF  }
0xc1: {  	_ =	task.clear_ibuf [dreg:s5], $0x2FFFF;
	_ =	strace $0x9FFFFFFF  }
0xc2: {  	(tm) =	ssettm $0x7FFFFFFF  }
0xc3: {  	_ =	shalt  }
tec
execute0_lowered:
.L_overlay_start_1:
0x0: {  	(tag) =	ssettag $0x1  }
0x1: {  	s5 =	rddreg [dreg:$0x0]  }
0x2: {  	s1 =	rddreg [dreg:$0x1]  }
0x3: {  	s3 =	rddreg [dreg:$0x2]  }
0x4: {  	s2 =	rddreg [dreg:$0x3]  }
0x5: {  	s0 =	rddreg [dreg:$0x4];
	s6 =	simm.s32 $0x0;
	s4 =	stileid.u32  }
0x6: {  	[smem:$0x7FF] =	sst s6;
	p0 =	seq.s32 s4, $0xF  }
0x7: {  	_ =	strace $0x80000047;
	s6 =	sadd.s32 @p0 $0x7FF8, s5;
	s7 =	simm.s32 @p0 $0x0  }
0x8: {  	[tilespmem:s7], [sflag:$0x1] =	stream.linear.gather @p0 [hbm4b:s6+s7], $0x43C0, $0x38;
	[tilespmem:$0xD510] =	vst v63  }
0x9: {  	s6 =	simm.s32 @p0 $0x1  }
0xa: {  	_ =	swait.ge @p0 [sflag:s6], $0x43C0  }
0xb: {  	s8 =	sadd.s32 $0x8A00, s5;
	[sflag:s6] =	ssyncset.done @p0 $0x0  }
0xc: {  	s9 =	sadd.s32 @p0 $0x7FF8, s8;
	s10 =	simm.s32 @p0 $0x4480;
	[sflag:s6] =	ssyncadd.s32 @p0 $0xFFFFBC40  }
0xd: {  	[tilespmem:s10], [sflag:$0x1] =	stream.linear.gather @p0 [hbm4b:s9+s7], $0x43C0, $0x38;
	[tilespmem:$0xD510] =	vst v63  }
0xe: {  	s28 =	sshll.u32 s4, $0x7;
	s7 =	smul.u32 @!p0 $0x888, s4;
	_ =	swait.ge @p0 [sflag:s6], $0x43C0  }
0xf: {  	s29 =	sshll.u32 s4, $0x4;
	s11 =	simm.s32 @!p0 $0x0;
	[sflag:s6] =	ssyncset.done @p0 $0x0  }
0x10: {  	s9 =	simm.s32 @!p0 $0x1;
	[sflag:s6] =	ssyncadd.s32 @p0 $0xFFFFBC40;
	s6 =	sadd.s32 @!p0 s5, s7  }
0x11: {  	[tilespmem:s11], [sflag:$0x1] =	stream.linear.gather @!p0 [hbm4b:s6+s11], $0x4440, $0x38;
	[tilespmem:$0xD510] =	vst v63  }
0x12: {  	s31 =	sshll.u32 s4, $0x9;
	s30 =	sor.u32 s29, s28;
	_ =	swait.ge @!p0 [sflag:s9], $0x4440  }
0x13: {  	s7 =	sadd.s32 @!p0 s8, s7;
	s6 =	sand.u32 $0x470, s30;
	[sflag:s9] =	ssyncset.done @!p0 $0x0  }
0x14: {  	s8 =	simm.s32 @!p0 $0x4480;
	s5 =	sadd.s32 s6, s5;
	[sflag:s9] =	ssyncadd.s32 @!p0 $0xFFFFBBC0  }
0x15: {  	[tilespmem:s8], [sflag:$0x1] =	stream.linear.gather @!p0 [hbm4b:s7+s11], $0x4440, $0x38;
	[tilespmem:$0xD510] =	vst v63  }
0x16: {  	s10 =	simm.s32 $0x0;
	s6 =	sadd.s32 $0x11C00, s5;
	_ =	swait.ge @!p0 [sflag:s9], $0x4440  }
0x17: {  	s8 =	sadd.s32 s31, s3;
	s7 =	sadd.s32 $0x11400, s5;
	[sflag:s9] =	ssyncset.done @!p0 $0x0  }
0x18: {  	v0 =	vimm.f32 $0.0e+00;
	s5 =	sadd.s32 s29, s2;
	[sflag:s9] =	ssyncadd.s32 @!p0 $0xFFFFBBC0;
	s9 =	simm.s32 $0x40  }
.LBB2_1:
0x19: {  	p1 =	sne.s32 s9, $0x3FC0;
	[tilespmem:s10+$0x8900] =	vst v0;
	s11 =	smov.u32 s9;
	s9 =	sadd.s32 $0x40, s9  }
.Ltmp0:
0x1a: {  	[tilespmem:s10+$0x9900] =	vst v0;
	(pc) =	sbr.rel @p1 .LBB2_1-.Ltmp0, $2  }
0x1b: {  	_ =	sdelay $0x2  }
0x1c: {  	s10 =	sshra.s32 s11, $0x2  }
.Ltmp1:
0x1d: {  	[tilespmem:s10+$0x8900] =	vst v0;
	(pc) =	sbr.rel @!p0 .LBB2_3-.Ltmp1, $4  }
0x1e: {  	[tilespmem:s10+$0x9900] =	vst v0;
	v0 =	vlaneseq.u32  }
0x1f: {  	v0 =	vmul.u32 $0x100, v0  }
0x20: {  	s9 =	simm.s32 $0x44A0  }
0x21: {  	s12 =	simm.s32 $0x20;
	s10 =	simm.s32 $0x8900;
	s11 =	simm.s32 $0x9900;
	v1 =	vor.u32 $0x80, v0;
	v0 =	vimm.f32 $1.000000000e+00  }
0x22: {  	v2 =	vld [tilespmem:s12+$0x10];
	_ =	sdelay $0x1  }
0x23: {  	v3 =	vld [tilespmem:s12+$0xFFFFFFF0]  }
0x24: {  	v4 =	vld [tilespmem:s12+$0xFFFFFFE0];
	_ =	sdelay $0x1  }
0x25: {  	v2 =	vshra.s32 v2, $0x18  }
0x26: {  	v6 =	vld [tilespmem:s12+$0x0];
	v7 =	vadd.s32 v1, v2  }
0x27: {  	v8 =	vld [tilespmem:s9+$0x10];
	v2 =	vshra.s32 v3, $0x18  }
0x28: {  	v9 =	vld [tilespmem:s9+$0xFFFFFFE0];
	v3 =	vshra.s32 v4, $0x18;
	v2 =	vadd.s32 v1, v2  }
0x29: {  	v5 =	vld [tilespmem:s9+$0xFFFFFFF0];
	v10 =	vadd.s32 v1, v3  }
0x2a: {  	v3 =	vld [tilespmem:s9+$0x0]  }
0x2b: {  	[tilespmem:v7+s10+$0x0] =	vst.idx.add.f32.msk $0xffff, v0  }
0x2c: {  	[tilespmem:v7+s11+$0x0] =	vst.idx.add.f32.msk $0xffff, v8  }
0x2d: {  	[tilespmem:v2+s10+$0x0] =	vst.idx.add.f32.msk $0xffff, v0  }
0x2e: {  	v4 =	vshra.s32 v6, $0x18;
	[tilespmem:v10+s10+$0x0] =	vst.idx.add.f32.msk $0xffff, v0  }
0x2f: {  	s12 =	simm.s32 $0x0;
	s13 =	simm.s32 $0x60;
	v4 =	vadd.s32 v1, v4;
	[tilespmem:v10+s11+$0x0] =	vst.idx.add.f32.msk $0xffff, v9  }
.LBB2_7:
0x30: {  	v6 =	vld [tilespmem:s13+$0x10]  }
0x31: {  	s12 =	sadd.s32 $0x4, s12;
	v7 =	vld [tilespmem:s13+$0xFFFFFFF0]  }
0x32: {  	p0 =	slt.u32 s12, $0x438;
	v8 =	vld [tilespmem:s13+$0x0]  }
0x33: {  	v9 =	vld [tilespmem:s13+$0xFFFFFFE0]  }
0x34: {  	[tilespmem:v2+s11+$0x0] =	vst.idx.add.f32.msk $0xffff, v5  }
0x35: {  	v2 =	vshra.s32 v6, $0x18;
	[tilespmem:v4+s10+$0x0] =	vst.idx.add.f32.msk $0xffff, v0  }
0x36: {  	s9 =	sadd.s32 $0x40, s9;
	v5 =	vshra.s32 v7, $0x18;
	v6 =	vadd.s32 v1, v2;
	[tilespmem:v4+s11+$0x0] =	vst.idx.add.f32.msk $0xffff, v3  }
0x37: {  	v2 =	vadd.s32 v1, v5;
	v3 =	vshra.s32 v8, $0x18;
	v7 =	vld [tilespmem:s9+$0x10]  }
0x38: {  	v8 =	vld [tilespmem:s9+$0xFFFFFFE0];
	v5 =	vshra.s32 v9, $0x18;
	v4 =	vadd.s32 v1, v3  }
0x39: {  	v9 =	vadd.s32 v1, v5;
	v5 =	vld [tilespmem:s9+$0xFFFFFFF0]  }
0x3a: {  	v3 =	vld [tilespmem:s9+$0x0]  }
.Ltmp2:
0x3b: {  	[tilespmem:v6+s10+$0x0] =	vst.idx.add.f32.msk $0xffff, v0;
	(pc) =	sbr.rel @p0 .LBB2_7-.Ltmp2, $4  }
0x3c: {  	[tilespmem:v6+s11+$0x0] =	vst.idx.add.f32.msk $0xffff, v7  }
0x3d: {  	[tilespmem:v2+s10+$0x0] =	vst.idx.add.f32.msk $0xffff, v0  }
0x3e: {  	[tilespmem:v9+s10+$0x0] =	vst.idx.add.f32.msk $0xffff, v0  }
0x3f: {  	s13 =	sadd.s32 $0x40, s13;
	[tilespmem:v9+s11+$0x0] =	vst.idx.add.f32.msk $0xffff, v8  }
0x40: {  	_ =	sdelay $0x1  }
.Ltmp3:
0x41: {  	_ = 	snop;
	(pc) =	sbr.rel .LBB2_9-.Ltmp3, $4  }
0x42: {  	_ = 	snop  }
0x43: {  	[tilespmem:v2+s11+$0x0] =	vst.idx.add.f32.msk $0xffff, v5  }
0x44: {  	[tilespmem:v4+s10+$0x0] =	vst.idx.add.f32.msk $0xffff, v0  }
0x45: {  	[tilespmem:v4+s11+$0x0] =	vst.idx.add.f32.msk $0xffff, v3  }
.LBB2_3:
0x46: {  	v2 =	vld [tilespmem:s12+$0x10];
	_ =	sdelay $0x1  }
0x47: {  	v3 =	vld [tilespmem:s12+$0xFFFFFFF0]  }
0x48: {  	v4 =	vld [tilespmem:s12+$0xFFFFFFE0];
	_ =	sdelay $0x1  }
0x49: {  	v2 =	vshra.s32 v2, $0x18  }
0x4a: {  	v6 =	vld [tilespmem:s12+$0x0];
	v7 =	vadd.s32 v1, v2  }
0x4b: {  	v8 =	vld [tilespmem:s9+$0x10];
	v2 =	vshra.s32 v3, $0x18  }
0x4c: {  	v9 =	vld [tilespmem:s9+$0xFFFFFFE0];
	v3 =	vshra.s32 v4, $0x18;
	v2 =	vadd.s32 v1, v2  }
0x4d: {  	v5 =	vld [tilespmem:s9+$0xFFFFFFF0];
	v10 =	vadd.s32 v1, v3  }
0x4e: {  	v3 =	vld [tilespmem:s9+$0x0]  }
0x4f: {  	[tilespmem:v7+s10+$0x0] =	vst.idx.add.f32.msk $0xffff, v0  }
0x50: {  	[tilespmem:v7+s11+$0x0] =	vst.idx.add.f32.msk $0xffff, v8  }
0x51: {  	[tilespmem:v2+s10+$0x0] =	vst.idx.add.f32.msk $0xffff, v0  }
0x52: {  	v4 =	vshra.s32 v6, $0x18;
	[tilespmem:v10+s10+$0x0] =	vst.idx.add.f32.msk $0xffff, v0  }
0x53: {  	s12 =	simm.s32 $0x0;
	s13 =	simm.s32 $0x60;
	v4 =	vadd.s32 v1, v4;
	[tilespmem:v10+s11+$0x0] =	vst.idx.add.f32.msk $0xffff, v9  }
.LBB2_4:
0x54: {  	v6 =	vld [tilespmem:s13+$0x10]  }
0x55: {  	s12 =	sadd.s32 $0x4, s12;
	v7 =	vld [tilespmem:s13+$0xFFFFFFF0]  }
0x56: {  	p0 =	slt.u32 s12, $0x440;
	v8 =	vld [tilespmem:s13+$0x0]  }
0x57: {  	v9 =	vld [tilespmem:s13+$0xFFFFFFE0]  }
0x58: {  	[tilespmem:v2+s11+$0x0] =	vst.idx.add.f32.msk $0xffff, v5  }
0x59: {  	v2 =	vshra.s32 v6, $0x18;
	[tilespmem:v4+s10+$0x0] =	vst.idx.add.f32.msk $0xffff, v0  }
0x5a: {  	s9 =	sadd.s32 $0x40, s9;
	v5 =	vshra.s32 v7, $0x18;
	v6 =	vadd.s32 v1, v2;
	[tilespmem:v4+s11+$0x0] =	vst.idx.add.f32.msk $0xffff, v3  }
0x5b: {  	v2 =	vadd.s32 v1, v5;
	v3 =	vshra.s32 v8, $0x18;
	v7 =	vld [tilespmem:s9+$0x10]  }
0x5c: {  	v8 =	vld [tilespmem:s9+$0xFFFFFFE0];
	v5 =	vshra.s32 v9, $0x18;
	v4 =	vadd.s32 v1, v3  }
0x5d: {  	v9 =	vadd.s32 v1, v5;
	v5 =	vld [tilespmem:s9+$0xFFFFFFF0]  }
0x5e: {  	v3 =	vld [tilespmem:s9+$0x0]  }
.Ltmp4:
0x5f: {  	[tilespmem:v6+s10+$0x0] =	vst.idx.add.f32.msk $0xffff, v0;
	(pc) =	sbr.rel @p0 .LBB2_4-.Ltmp4, $4  }
0x60: {  	[tilespmem:v6+s11+$0x0] =	vst.idx.add.f32.msk $0xffff, v7  }
0x61: {  	[tilespmem:v2+s10+$0x0] =	vst.idx.add.f32.msk $0xffff, v0  }
0x62: {  	[tilespmem:v9+s10+$0x0] =	vst.idx.add.f32.msk $0xffff, v0  }
0x63: {  	s13 =	sadd.s32 $0x40, s13;
	[tilespmem:v9+s11+$0x0] =	vst.idx.add.f32.msk $0xffff, v8  }
0x64: {  	_ =	sdelay $0x3  }
0x65: {  	[tilespmem:v2+s11+$0x0] =	vst.idx.add.f32.msk $0xffff, v5  }
0x66: {  	[tilespmem:v4+s10+$0x0] =	vst.idx.add.f32.msk $0xffff, v0  }
0x67: {  	[tilespmem:v4+s11+$0x0] =	vst.idx.add.f32.msk $0xffff, v3  }
.LBB2_9:
0x68: {  	s9 =	simm.s32 $0x9100  }
0x69: {  	s10 =	simm.s32 $0xA100;
	v0 =	vld [tilespmem:s9+$0xFFFFF800]  }
0x6a: {  	v1 =	vld [tilespmem:s10+$0xFFFFF800]  }
0x6b: {  	v2 =	vld [tilespmem:s9+$0xFFFFF900]  }
0x6c: {  	v3 =	vld [tilespmem:s10+$0xFFFFF900]  }
0x6d: {  	v4 =	vld [tilespmem:s9+$0xFFFFFA00]  }
0x6e: {  	v5 =	vld [tilespmem:s10+$0xFFFFFA00];
	v0 =	vadd.f32 $0.0e+00, v0  }
0x6f: {  	v6 =	vld [tilespmem:s9+$0xFFFFFB00];
	v1 =	vadd.f32 $0.0e+00, v1  }
0x70: {  	v0 =	vadd.f32 v2, v0;
	v2 =	vld [tilespmem:s10+$0xFFFFFB00]  }
0x71: {  	v1 =	vadd.f32 v3, v1;
	v3 =	vld [tilespmem:s9+$0xFFFFFC00]  }
0x72: {  	v49 =	vld [tilespmem:s10+$0xFFFFFC00];
	v0 =	vadd.f32 v4, v0  }
0x73: {  	v50 =	vld [tilespmem:s9+$0xFFFFFD00];
	v1 =	vadd.f32 v5, v1  }
0x74: {  	v51 =	vld [tilespmem:s10+$0xFFFFFD00];
	v0 =	vadd.f32 v6, v0  }
0x75: {  	v1 =	vadd.f32 v2, v1;
	v2 =	vld [tilespmem:s9+$0xFFFFFE00]  }
0x76: {  	v0 =	vadd.f32 v3, v0;
	v3 =	vld [tilespmem:s10+$0xFFFFFE00]  }
0x77: {  	v52 =	vld [tilespmem:s9+$0xFFFFFF00];
	v1 =	vadd.f32 v49, v1  }
0x78: {  	v53 =	vld [tilespmem:s10+$0xFFFFFF00];
	v0 =	vadd.f32 v50, v0  }
0x79: {  	v54 =	vld [tilespmem:s9+$0x0];
	v1 =	vadd.f32 v51, v1  }
0x7a: {  	v0 =	vadd.f32 v2, v0;
	v2 =	vld [tilespmem:s10+$0x0]  }
0x7b: {  	v1 =	vadd.f32 v3, v1;
	v3 =	vld [tilespmem:s9+$0x100]  }
0x7c: {  	v55 =	vld [tilespmem:s10+$0x100];
	v0 =	vadd.f32 v52, v0  }
0x7d: {  	v56 =	vld [tilespmem:s9+$0x200];
	v1 =	vadd.f32 v53, v1  }
0x7e: {  	v57 =	vld [tilespmem:s10+$0x200];
	v0 =	vadd.f32 v54, v0  }
0x7f: {  	v1 =	vadd.f32 v2, v1;
	v2 =	vld [tilespmem:s9+$0x300]  }
0x80: {  	v0 =	vadd.f32 v3, v0;
	v3 =	vld [tilespmem:s10+$0x300]  }
0x81: {  	v58 =	vld [tilespmem:s9+$0x400];
	v1 =	vadd.f32 v55, v1  }
0x82: {  	v59 =	vld [tilespmem:s10+$0x400];
	v0 =	vadd.f32 v56, v0  }
0x83: {  	v60 =	vld [tilespmem:s9+$0x500];
	v1 =	vadd.f32 v57, v1  }
0x84: {  	v0 =	vadd.f32 v2, v0;
	v2 =	vld [tilespmem:s10+$0x500]  }
0x85: {  	v1 =	vadd.f32 v3, v1;
	v3 =	vld [tilespmem:s9+$0x600]  }
0x86: {  	v61 =	vld [tilespmem:s10+$0x600];
	v0 =	vadd.f32 v58, v0  }
0x87: {  	v62 =	vld [tilespmem:s9+$0x700];
	v1 =	vadd.f32 v59, v1  }
0x88: {  	v63 =	vld [tilespmem:s10+$0x700];
	v0 =	vadd.f32 v60, v0  }
0x89: {  	v1 =	vadd.f32 v2, v1  }
0x8a: {  	v0 =	vadd.f32 v3, v0  }
0x8b: {  	v1 =	vadd.f32 v61, v1  }
0x8c: {  	v0 =	vadd.f32 v62, v0  }
0x8d: {  	s31 =	simm.s32 $0x0;
	s9 =	simm.s32 $0xA900;
	v1 =	vadd.f32 v63, v1  }
0x8e: {  	s10 =	sand.u32 $0xF0, s31;
	[tilespmem:s9+$0x0] =	vst v0  }
0x8f: {  	s11 =	simm.s32 $0x9110;
	[tilespmem:s10+$0xAA00] =	vst v1  }
0x90: {  	s12 =	simm.s32 $0xA110;
	v0 =	vld [tilespmem:s11+$0xFFFFF800]  }
0x91: {  	s13 =	simm.s32 $0x20;
	s10 =	simm.s32 $0x10;
	v1 =	vld [tilespmem:s12+$0xFFFFF800]  }
.LBB2_10:
0x92: {  	p0 =	sne.s32 s13, $0xF0;
	v2 =	vld [tilespmem:s11+$0xFFFFF900]  }
0x93: {  	v3 =	vld [tilespmem:s12+$0xFFFFF900]  }
0x94: {  	v4 =	vld [tilespmem:s11+$0xFFFFFA00]  }
0x95: {  	v0 =	vadd.f32 $0.0e+00, v0;
	v5 =	vld [tilespmem:s12+$0xFFFFFA00]  }
0x96: {  	v1 =	vadd.f32 $0.0e+00, v1;
	v6 =	vld [tilespmem:s11+$0xFFFFFB00]  }
0x97: {  	v0 =	vadd.f32 v2, v0;
	v2 =	vld [tilespmem:s12+$0xFFFFFB00]  }
0x98: {  	v1 =	vadd.f32 v3, v1;
	v3 =	vld [tilespmem:s11+$0xFFFFFC00]  }
0x99: {  	v0 =	vadd.f32 v4, v0;
	v4 =	vld [tilespmem:s12+$0xFFFFFC00]  }
0x9a: {  	v1 =	vadd.f32 v5, v1;
	v5 =	vld [tilespmem:s11+$0xFFFFFD00]  }
0x9b: {  	v0 =	vadd.f32 v6, v0;
	v6 =	vld [tilespmem:s12+$0xFFFFFD00]  }
0x9c: {  	v1 =	vadd.f32 v2, v1;
	v2 =	vld [tilespmem:s11+$0xFFFFFE00]  }
0x9d: {  	v0 =	vadd.f32 v3, v0;
	v3 =	vld [tilespmem:s12+$0xFFFFFE00]  }
0x9e: {  	v1 =	vadd.f32 v4, v1;
	v4 =	vld [tilespmem:s11+$0xFFFFFF00]  }
0x9f: {  	v0 =	vadd.f32 v5, v0;
	v5 =	vld [tilespmem:s12+$0xFFFFFF00]  }
0xa0: {  	v1 =	vadd.f32 v6, v1;
	v6 =	vld [tilespmem:s11+$0x0]  }
0xa1: {  	v0 =	vadd.f32 v2, v0;
	v2 =	vld [tilespmem:s12+$0x0]  }
0xa2: {  	v1 =	vadd.f32 v3, v1;
	v3 =	vld [tilespmem:s11+$0x100]  }
0xa3: {  	v0 =	vadd.f32 v4, v0;
	v4 =	vld [tilespmem:s12+$0x100]  }
0xa4: {  	v1 =	vadd.f32 v5, v1;
	v5 =	vld [tilespmem:s11+$0x200]  }
0xa5: {  	v0 =	vadd.f32 v6, v0;
	v6 =	vld [tilespmem:s12+$0x200]  }
0xa6: {  	v1 =	vadd.f32 v2, v1;
	v2 =	vld [tilespmem:s11+$0x300]  }
0xa7: {  	v0 =	vadd.f32 v3, v0;
	v3 =	vld [tilespmem:s12+$0x300]  }
0xa8: {  	v1 =	vadd.f32 v4, v1;
	v4 =	vld [tilespmem:s11+$0x400]  }
0xa9: {  	v0 =	vadd.f32 v5, v0;
	v5 =	vld [tilespmem:s12+$0x400]  }
0xaa: {  	v1 =	vadd.f32 v6, v1;
	v6 =	vld [tilespmem:s11+$0x500]  }
0xab: {  	v0 =	vadd.f32 v2, v0;
	v2 =	vld [tilespmem:s12+$0x500]  }
0xac: {  	v1 =	vadd.f32 v3, v1;
	v3 =	vld [tilespmem:s11+$0x600]  }
0xad: {  	v0 =	vadd.f32 v4, v0;
	v4 =	vld [tilespmem:s12+$0x600]  }
0xae: {  	v1 =	vadd.f32 v5, v1;
	v5 =	vld [tilespmem:s11+$0x700]  }
0xaf: {  	v0 =	vadd.f32 v6, v0;
	v6 =	vld [tilespmem:s12+$0x700]  }
0xb0: {  	v1 =	vadd.f32 v2, v1  }
0xb1: {  	v0 =	vadd.f32 v3, v0  }
0xb2: {  	v1 =	vadd.f32 v4, v1  }
0xb3: {  	v0 =	vadd.f32 v5, v0  }
.Ltmp5:
0xb4: {  	s9 =	sadd.s32 $0x10, s9;
	v1 =	vadd.f32 v6, v1;
	(pc) =	sbr.rel @p0 .LBB2_10-.Ltmp5, $4  }
0xb5: {  	s14 =	sand.u32 $0xF0, s10;
	s10 =	smov.u32 s13;
	[tilespmem:s9+$0x0] =	vst v0  }
0xb6: {  	s11 =	sadd.s32 $0x10, s11;
	[tilespmem:s14+$0xAA00] =	vst v1  }
0xb7: {  	s12 =	sadd.s32 $0x10, s12;
	v0 =	vld [tilespmem:s11+$0xFFFFF800]  }
0xb8: {  	s13 =	sadd.s32 $0x10, s13;
	v1 =	vld [tilespmem:s12+$0xFFFFF800]  }
0xb9: {  	v2 =	vld [tilespmem:s11+$0xFFFFF900]  }
0xba: {  	v3 =	vld [tilespmem:s12+$0xFFFFF900]  }
0xbb: {  	v4 =	vld [tilespmem:s11+$0xFFFFFA00]  }
0xbc: {  	v5 =	vld [tilespmem:s12+$0xFFFFFA00];
	v0 =	vadd.f32 $0.0e+00, v0  }
0xbd: {  	v6 =	vld [tilespmem:s11+$0xFFFFFB00];
	v1 =	vadd.f32 $0.0e+00, v1  }
0xbe: {  	v38 =	vld [tilespmem:s12+$0xFFFFFB00];
	v0 =	vadd.f32 v2, v0  }
0xbf: {  	v39 =	vld [tilespmem:s11+$0xFFFFFC00];
	v1 =	vadd.f32 v3, v1  }
0xc0: {  	v40 =	vld [tilespmem:s12+$0xFFFFFC00];
	v0 =	vadd.f32 v4, v0  }
0xc1: {  	v41 =	vld [tilespmem:s11+$0xFFFFFD00];
	v1 =	vadd.f32 v5, v1  }
0xc2: {  	v42 =	vld [tilespmem:s12+$0xFFFFFD00];
	v0 =	vadd.f32 v6, v0  }
0xc3: {  	v43 =	vld [tilespmem:s11+$0xFFFFFE00];
	v1 =	vadd.f32 v38, v1  }
0xc4: {  	v44 =	vld [tilespmem:s12+$0xFFFFFE00];
	v0 =	vadd.f32 v39, v0  }
0xc5: {  	v45 =	vld [tilespmem:s11+$0xFFFFFF00];
	v1 =	vadd.f32 v40, v1  }
0xc6: {  	v46 =	vld [tilespmem:s12+$0xFFFFFF00];
	v0 =	vadd.f32 v41, v0  }
0xc7: {  	v47 =	vld [tilespmem:s11+$0x0];
	v1 =	vadd.f32 v42, v1  }
0xc8: {  	v48 =	vld [tilespmem:s12+$0x0];
	v0 =	vadd.f32 v43, v0  }
0xc9: {  	v49 =	vld [tilespmem:s11+$0x100];
	v1 =	vadd.f32 v44, v1  }
0xca: {  	v50 =	vld [tilespmem:s12+$0x100];
	v0 =	vadd.f32 v45, v0  }
0xcb: {  	v51 =	vld [tilespmem:s11+$0x200];
	v1 =	vadd.f32 v46, v1  }
0xcc: {  	v52 =	vld [tilespmem:s12+$0x200];
	v0 =	vadd.f32 v47, v0  }
0xcd: {  	v53 =	vld [tilespmem:s11+$0x300];
	v1 =	vadd.f32 v48, v1  }
0xce: {  	v54 =	vld [tilespmem:s12+$0x300];
	v0 =	vadd.f32 v49, v0  }
0xcf: {  	v55 =	vld [tilespmem:s11+$0x400];
	v1 =	vadd.f32 v50, v1  }
0xd0: {  	v56 =	vld [tilespmem:s12+$0x400];
	v0 =	vadd.f32 v51, v0  }
0xd1: {  	v57 =	vld [tilespmem:s11+$0x500];
	v1 =	vadd.f32 v52, v1  }
0xd2: {  	v58 =	vld [tilespmem:s12+$0x500];
	v0 =	vadd.f32 v53, v0  }
0xd3: {  	v59 =	vld [tilespmem:s11+$0x600];
	v1 =	vadd.f32 v54, v1  }
0xd4: {  	v60 =	vld [tilespmem:s12+$0x600];
	v0 =	vadd.f32 v55, v0  }
0xd5: {  	v61 =	vld [tilespmem:s11+$0x700];
	v1 =	vadd.f32 v56, v1  }
0xd6: {  	v62 =	vld [tilespmem:s12+$0x700];
	v0 =	vadd.f32 v57, v0  }
0xd7: {  	v1 =	vadd.f32 v58, v1  }
0xd8: {  	v0 =	vadd.f32 v59, v0  }
0xd9: {  	v1 =	vadd.f32 v60, v1  }
0xda: {  	v0 =	vadd.f32 v61, v0  }
0xdb: {  	s9 =	sadd.s32 $0x10, s9;
	v1 =	vadd.f32 v62, v1  }
0xdc: {  	s13 =	sand.u32 $0xF0, s10;
	[tilespmem:s9+$0x0] =	vst v0  }
0xdd: {  	s14 =	simm.s32 $0xA900;
	[tilespmem:s13+$0xAA00] =	vst v1  }
0xde: {  	[spmem:s8] =	stream.linear.scatter [tilespmem:s14], [sflag:$0x1], $0x200, $0x38;
	[tilespmem:$0xD510] =	vst v63  }
0xdf: {  	s8 =	simm.s32 $0x1  }
0xe0: {  	_ =	swait.ge [sflag:s8], $0x200  }
0xe1: {  	s15 =	simm.s32 $0x80;
	[sflag:s8] =	ssyncset.done $0x0  }
0xe2: {  	s16 =	simm.s32 $0x400;
	s17 =	simm.s32 $0xAB00;
	[sflag:s8] =	ssyncadd.s32 $0xFFFFFE00  }
0xe3: {  	[tilespmem:s17], [sflag:$0x1] =	stream.strided.gather [hbm4b:s7+s15], $0x400, s16, s15, $0x38;
	[tilespmem:$0xD510] =	vst v63  }
0xe4: {  	_ =	swait.ge [sflag:s8], $0x400  }
0xe5: {  	[sflag:s8] =	ssyncset.done $0x0  }
0xe6: {  	[sflag:s8] =	ssyncadd.s32 $0xFFFFFC00  }
0xe7: {  	v15 =	vld [tilespmem:$0xAB00]  }
0xe8: {  	v16 =	vld [tilespmem:$0xAB80]  }
0xe9: {  	v17 =	vld [tilespmem:$0xAC00]  }
0xea: {  	v18 =	vld [tilespmem:$0xAB10]  }
0xeb: {  	v19 =	vld [tilespmem:$0xAB90]  }
0xec: {  	v20 =	vld [tilespmem:$0xAC10]  }
0xed: {  	v21 =	vld [tilespmem:$0xAB20]  }
0xee: {  	v22 =	vld [tilespmem:$0xABA0]  }
0xef: {  	v23 =	vld [tilespmem:$0xAC20]  }
0xf0: {  	v14 =	vld [tilespmem:$0xAB30]  }
0xf1: {  	v13 =	vld [tilespmem:$0xABB0]  }
0xf2: {  	v12 =	vld [tilespmem:$0xAC30]  }
0xf3: {  	v11 =	vld [tilespmem:$0xAB40]  }
0xf4: {  	v10 =	vld [tilespmem:$0xABC0]  }
0xf5: {  	v9 =	vld [tilespmem:$0xAC40]  }
0xf6: {  	v8 =	vld [tilespmem:$0xAB50]  }
0xf7: {  	v7 =	vld [tilespmem:$0xABD0]  }
0xf8: {  	v6 =	vld [tilespmem:$0xAC50]  }
0xf9: {  	v5 =	vld [tilespmem:$0xAB60]  }
0xfa: {  	v4 =	vld [tilespmem:$0xABE0]  }
0xfb: {  	v3 =	vld [tilespmem:$0xAC60]  }
0xfc: {  	v2 =	vld [tilespmem:$0xAB70]  }
0xfd: {  	v1 =	vld [tilespmem:$0xABF0]  }
0xfe: {  	v0 =	vld [tilespmem:$0xAC70];
	[tilespmem:s17], [sflag:$0x1] =	stream.strided.gather [hbm4b:s6+s15], $0x400, s16, s15, $0x38  }
0xff: {  	_ =	swait.ge [sflag:s8], $0x400  }
0x100: {  	[sflag:s8] =	ssyncset.done $0x0  }
0x101: {  	[sflag:s8] =	ssyncadd.s32 $0xFFFFFC00  }
0x102: {  	v24 =	vld [tilespmem:$0xAB00]  }
0x103: {  	v25 =	vld [tilespmem:$0xAB80]  }
0x104: {  	v26 =	vld [tilespmem:$0xAC00]  }
0x105: {  	v27 =	vld [tilespmem:$0xAB10]  }
0x106: {  	v28 =	vld [tilespmem:$0xAB90]  }
0x107: {  	v63 =	vld [tilespmem:$0xAC10];
	(xrf2) =	vadd.scan.msk.f32 $0xffff, v24  }
0x108: {  	v32 =	vld [tilespmem:$0xAB20];
	(xrf2) =	vadd.scan.msk.f32 $0xffff, v25  }
0x109: {  	v33 =	vld [tilespmem:$0xABA0];
	(xrf2) =	vadd.scan.msk.f32 $0xffff, v26  }
0x10a: {  	v34 =	vld [tilespmem:$0xAC20];
	(xrf2) =	vadd.scan.msk.f32 $0xffff, v27  }
0x10b: {  	v35 =	vld [tilespmem:$0xAB30];
	(xrf2) =	vadd.scan.msk.f32 $0xffff, v28  }
0x10c: {  	v36 =	vld [tilespmem:$0xABB0];
	(xrf2) =	vadd.scan.msk.f32 $0xffff, v63  }
0x10d: {  	v37 =	vld [tilespmem:$0xAC30];
	(xrf2) =	vadd.scan.msk.f32 $0xffff, v32  }
0x10e: {  	v38 =	vld [tilespmem:$0xAB40];
	(xrf2) =	vadd.scan.msk.f32 $0xffff, v33  }
0x10f: {  	v39 =	vld [tilespmem:$0xABC0];
	(xrf2) =	vadd.scan.msk.f32 $0xffff, v34  }
0x110: {  	v40 =	vld [tilespmem:$0xAC40];
	(xrf2) =	vadd.scan.msk.f32 $0xffff, v35  }
0x111: {  	v41 =	vld [tilespmem:$0xAB50];
	v29, _, _ =	vpop (xrf2);
	(xrf2) =	vadd.scan.msk.f32 $0xffff, v36  }
0x112: {  	v43 =	vld [tilespmem:$0xABD0];
	(v2sf) =	vpush v29, $0xF;
	v42, _, _ =	vpop (xrf2);
	(xrf2) =	vadd.scan.msk.f32 $0xffff, v37  }
0x113: {  	v45 =	vld [tilespmem:$0xAC50];
	(v2sf) =	vpush v42, $0xF;
	v44, _, _ =	vpop (xrf2);
	(xrf2) =	vadd.scan.msk.f32 $0xffff, v38  }
0x114: {  	v47 =	vld [tilespmem:$0xAB60];
	(v2sf) =	vpush v44, $0xF;
	v46, _, _ =	vpop (xrf2);
	(xrf2) =	vadd.scan.msk.f32 $0xffff, v39  }
0x115: {  	v49 =	vld [tilespmem:$0xABE0];
	(v2sf) =	vpush v46, $0xF;
	v48, _, _ =	vpop (xrf2);
	(xrf2) =	vadd.scan.msk.f32 $0xffff, v40  }
0x116: {  	v51 =	vld [tilespmem:$0xAC60];
	(v2sf) =	vpush v48, $0xF;
	v50, _, _ =	vpop (xrf2);
	(xrf2) =	vadd.scan.msk.f32 $0xffff, v41  }
0x117: {  	v53 =	vld [tilespmem:$0xAB70];
	(v2sf) =	vpush v50, $0xF;
	v52, _, _ =	vpop (xrf2);
	(xrf2) =	vadd.scan.msk.f32 $0xffff, v43  }
0x118: {  	v55 =	vld [tilespmem:$0xABF0];
	(v2sf) =	vpush v52, $0xF;
	v54, _, _ =	vpop (xrf2);
	(xrf2) =	vadd.scan.msk.f32 $0xffff, v45  }
0x119: {  	v57 =	vld [tilespmem:$0xAC70];
	(v2sf) =	vpush v54, $0xF;
	v56, _, _ =	vpop (xrf2);
	(xrf2) =	vadd.scan.msk.f32 $0xffff, v47  }
0x11a: {  	(v2sf) =	vpush v56, $0xF;
	v58, _, _ =	vpop (xrf2);
	(xrf2) =	vadd.scan.msk.f32 $0xffff, v49  }
0x11b: {  	(v2sf) =	vpush v58, $0xF;
	v59, _, _ =	vpop (xrf2);
	(xrf2) =	vadd.scan.msk.f32 $0xffff, v51  }
0x11c: {  	(v2sf) =	vpush v59, $0xF;
	v60, _, _ =	vpop (xrf2);
	(xrf2) =	vadd.scan.msk.f32 $0xffff, v53  }
0x11d: {  	(v2sf) =	vpush v60, $0xF;
	v61, _, _ =	vpop (xrf2);
	(xrf2) =	vadd.scan.msk.f32 $0xffff, v55  }
0x11e: {  	(v2sf) =	vpush v61, $0xF;
	v62, _, _ =	vpop (xrf2);
	(xrf2) =	vadd.scan.msk.f32 $0xffff, v57  }
0x11f: {  	(v2sf) =	vpush v62, $0xF;
	v63, _, _ =	vpop (xrf2);
	(xrf2) =	vadd.scan.msk.f32 $0xffff, v15  }
0x120: {  	(v2sf) =	vpush v63, $0xF;
	v24, _, _ =	vpop (xrf2);
	(xrf2) =	vadd.scan.msk.f32 $0xffff, v16  }
0x121: {  	s18 =	spop (v2sf);
	(v2sf) =	vpush v24, $0xF;
	v25, _, _ =	vpop (xrf2);
	(xrf2) =	vadd.scan.msk.f32 $0xffff, v17  }
0x122: {  	s19 =	spop (v2sf);
	(v2sf) =	vpush v25, $0xF;
	v26, _, _ =	vpop (xrf2);
	(xrf2) =	vadd.scan.msk.f32 $0xffff, v18  }
0x123: {  	s20 =	spop (v2sf);
	(v2sf) =	vpush v26, $0xF;
	v27, _, _ =	vpop (xrf2);
	(xrf2) =	vadd.scan.msk.f32 $0xffff, v19  }
0x124: {  	s21 =	spop (v2sf);
	(v2sf) =	vpush v27, $0xF;
	v28, _, _ =	vpop (xrf2);
	(xrf2) =	vadd.scan.msk.f32 $0xffff, v20  }
0x125: {  	s22 =	spop (v2sf);
	(v2sf) =	vpush v28, $0xF;
	v29, _, _ =	vpop (xrf2);
	(xrf2) =	vadd.scan.msk.f32 $0xffff, v21  }
0x126: {  	s23 =	spop (v2sf);
	(v2sf) =	vpush v29, $0xF;
	v30, _, _ =	vpop (xrf2);
	(xrf2) =	vadd.scan.msk.f32 $0xffff, v22  }
0x127: {  	s13 =	spop (v2sf);
	(v2sf) =	vpush v30, $0xF;
	v31, _, _ =	vpop (xrf2);
	(xrf2) =	vadd.scan.msk.f32 $0xffff, v23  }
0x128: {  	s6 =	sadd.f32 $0.0e+00, s18;
	s14 =	spop (v2sf);
	(v2sf) =	vpush v31, $0xF;
	v32, _, _ =	vpop (xrf2);
	(xrf2) =	vadd.scan.msk.f32 $0xffff, v14  }
0x129: {  	s7 =	sadd.f32 $0.0e+00, s19;
	s15 =	spop (v2sf);
	(v2sf) =	vpush v32, $0xF;
	v33, _, _ =	vpop (xrf2);
	(xrf2) =	vadd.scan.msk.f32 $0xffff, v13  }
0x12a: {  	s9 =	sadd.f32 $0.0e+00, s20;
	s16 =	spop (v2sf);
	(v2sf) =	vpush v33, $0xF;
	v34, _, _ =	vpop (xrf2);
	(xrf2) =	vadd.scan.msk.f32 $0xffff, v12  }
0x12b: {  	s6 =	sadd.f32 s21, s6;
	s24 =	spop (v2sf);
	(v2sf) =	vpush v34, $0xF;
	v35, _, _ =	vpop (xrf2);
	(xrf2) =	vadd.scan.msk.f32 $0xffff, v11  }
0x12c: {  	s7 =	sadd.f32 s22, s7;
	s25 =	spop (v2sf);
	(v2sf) =	vpush v35, $0xF;
	v36, _, _ =	vpop (xrf2);
	(xrf2) =	vadd.scan.msk.f32 $0xffff, v10  }
0x12d: {  	s9 =	sadd.f32 s23, s9;
	s26 =	spop (v2sf);
	(v2sf) =	vpush v36, $0xF;
	v37, _, _ =	vpop (xrf2);
	(xrf2) =	vadd.scan.msk.f32 $0xffff, v9  }
0x12e: {  	s6 =	sadd.f32 s13, s6;
	s28 =	spop (v2sf);
	(v2sf) =	vpush v37, $0xF;
	v38, _, _ =	vpop (xrf2);
	(xrf2) =	vadd.scan.msk.f32 $0xffff, v8  }
0x12f: {  	s7 =	sadd.f32 s14, s7;
	s29 =	spop (v2sf);
	(v2sf) =	vpush v38, $0xF;
	v39, _, _ =	vpop (xrf2);
	(xrf2) =	vadd.scan.msk.f32 $0xffff, v7  }
0x130: {  	s9 =	sadd.f32 s15, s9;
	s30 =	spop (v2sf);
	(v2sf) =	vpush v39, $0xF;
	v40, _, _ =	vpop (xrf2);
	(xrf2) =	vadd.scan.msk.f32 $0xffff, v6  }
0x131: {  	s6 =	sadd.f32 s16, s6;
	s31 =	spop (v2sf);
	(v2sf) =	vpush v40, $0xF;
	v41, _, _ =	vpop (xrf2);
	(xrf2) =	vadd.scan.msk.f32 $0xffff, v5  }
0x132: {  	s10 =	sadd.f32 s24, s7;
	s17 =	spop (v2sf);
	(v2sf) =	vpush v41, $0xF;
	v42, _, _ =	vpop (xrf2);
	(xrf2) =	vadd.scan.msk.f32 $0xffff, v4  }
0x133: {  	s11 =	sadd.f32 s25, s9;
	s9 =	spop (v2sf);
	(v2sf) =	vpush v42, $0xF;
	v43, _, _ =	vpop (xrf2);
	(xrf2) =	vadd.scan.msk.f32 $0xffff, v3  }
0x134: {  	s18 =	sadd.f32 s26, s6;
	s7 =	spop (v2sf);
	(v2sf) =	vpush v43, $0xF;
	v44, _, _ =	vpop (xrf2);
	(xrf2) =	vadd.scan.msk.f32 $0xffff, v2  }
0x135: {  	s13 =	sadd.f32 s28, s10;
	s6 =	spop (v2sf);
	(v2sf) =	vpush v44, $0xF;
	v45, _, _ =	vpop (xrf2);
	(xrf2) =	vadd.scan.msk.f32 $0xffff, v1  }
0x136: {  	s19 =	sadd.f32 s29, s11;
	v46, _, _ =	vpop (xrf2);
	s12 =	spop (v2sf);
	(v2sf) =	vpush v45, $0xF  }
0x137: {  	s15 =	sadd.f32 s30, s18;
	(xrf2) =	vadd.scan.msk.f32 $0xffff, v0;
	s10 =	spop (v2sf);
	(v2sf) =	vpush v46, $0xF;
	v47, _, _ =	vpop (xrf2)  }
0x138: {  	s14 =	sadd.f32 s31, s13;
	v48, _, _ =	vpop (xrf2);
	s11 =	spop (v2sf);
	(v2sf) =	vpush v47, $0xF  }
0x139: {  	s13 =	sadd.f32 s17, s19;
	v49, _, _ =	vpop (xrf2);
	s17 =	spop (v2sf);
	(v2sf) =	vpush v48, $0xF  }
0x13a: {  	v50, _, _ =	vpop (xrf2);
	s16 =	sadd.f32 $0.0e+00, s17;
	s18 =	spop (v2sf);
	(v2sf) =	vpush v49, $0xF  }
0x13b: {  	v51, _, _ =	vpop (xrf2);
	s17 =	sadd.f32 $0.0e+00, s18;
	s19 =	spop (v2sf);
	(v2sf) =	vpush v50, $0xF  }
0x13c: {  	v52, _, _ =	vpop (xrf2);
	s18 =	sadd.f32 $0.0e+00, s19;
	s20 =	spop (v2sf);
	(v2sf) =	vpush v51, $0xF  }
0x13d: {  	v53, _, _ =	vpop (xrf2);
	s16 =	sadd.f32 s20, s16;
	s21 =	spop (v2sf);
	(v2sf) =	vpush v52, $0xF  }
0x13e: {  	v54, _, _ =	vpop (xrf2);
	s17 =	sadd.f32 s21, s17;
	s22 =	spop (v2sf);
	(v2sf) =	vpush v53, $0xF  }
0x13f: {  	v55, _, _ =	vpop (xrf2);
	s18 =	sadd.f32 s22, s18;
	s23 =	spop (v2sf);
	(v2sf) =	vpush v54, $0xF  }
0x140: {  	s16 =	sadd.f32 s23, s16;
	s24 =	spop (v2sf);
	(v2sf) =	vpush v55, $0xF  }
0x141: {  	v56, _, _ =	vpop (xrf2);
	s17 =	sadd.f32 s24, s17;
	s25 =	spop (v2sf)  }
0x142: {  	(v2sf) =	vpush v56, $0xF;
	s18 =	sadd.f32 s25, s18;
	s26 =	spop (v2sf)  }
0x143: {  	s16 =	sadd.f32 s26, s16;
	s28 =	spop (v2sf)  }
0x144: {  	s17 =	sadd.f32 s28, s17;
	s29 =	spop (v2sf)  }
0x145: {  	s18 =	sadd.f32 s29, s18;
	s30 =	spop (v2sf)  }
0x146: {  	s16 =	sadd.f32 s30, s16;
	s31 =	spop (v2sf)  }
0x147: {  	s17 =	sadd.f32 s31, s17;
	s20 =	spop (v2sf)  }
0x148: {  	s18 =	sadd.f32 s20, s18;
	s21 =	spop (v2sf)  }
0x149: {  	s16 =	sadd.f32 s21, s16;
	s22 =	spop (v2sf)  }
0x14a: {  	s17 =	sadd.f32 s22, s17;
	s23 =	spop (v2sf)  }
0x14b: {  	s18 =	sadd.f32 s23, s18;
	s24 =	spop (v2sf)  }
0x14c: {  	s16 =	sadd.f32 s24, s16;
	s25 =	spop (v2sf)  }
0x14d: {  	s17 =	sadd.f32 s25, s17;
	s26 =	spop (v2sf)  }
0x14e: {  	s18 =	sadd.f32 s26, s18;
	s28 =	spop (v2sf)  }
0x14f: {  	s16 =	sadd.f32 s28, s16;
	s29 =	spop (v2sf)  }
0x150: {  	s17 =	sadd.f32 s29, s17  }
0x151: {  	vm0 =	vcmask $0x300;
	s9 =	sadd.f32 s9, s15;
	s30 =	spop (v2sf)  }
0x152: {  	vm1 =	vcmask $0x704;
	v57 =	vmov s16;
	s15 =	sadd.f32 s30, s18;
	v58 =	vmov s17  }
0x153: {  	s7 =	sadd.f32 s7, s14;
	v0 =	vnsel vm0, $0x0, v57;
	v1 =	vnsel vm1, $0x0, v58  }
0x154: {  	vm12 =	vcmask $0xB08;
	s9 =	sadd.f32 s12, s9;
	v59 =	vmov s15;
	v0 =	vadd.f32 v1, v0  }
0x155: {  	s6 =	sadd.f32 s6, s13;
	v60 =	vnsel vm12, $0x0, v59  }
0x156: {  	vm13 =	vcmask $0xF0C;
	s7 =	sadd.f32 s10, s7;
	v61 =	vmov s9;
	v0 =	vadd.f32 v60, v0  }
0x157: {  	v1 =	vnsel vm13, $0x0, v61  }
0x158: {  	vm14 =	vcmask $0x1310;
	s6 =	sadd.f32 s11, s6;
	v62 =	vmov s7;
	v0 =	vadd.f32 v1, v0  }
0x159: {  	v1 =	vnsel vm14, $0x0, v62  }
0x15a: {  	vm15 =	vcmask $0x1714;
	v63 =	vmov s6;
	v0 =	vadd.f32 v1, v0  }
0x15b: {  	v1 =	vnsel vm15, $0x0, v63  }
0x15c: {  	v0 =	vadd.f32 v1, v0;
	_ =	sdelay $0x1  }
0x15d: {  	s31 =	simm.s32 $0xAF00;
	[tilespmem:$0xAF00] =	vst v0  }
0x15e: {  	[spmem:s5] =	stream.linear.scatter [tilespmem:s31], [sflag:$0x1], $0x10, $0x38;
	[tilespmem:$0xD510] =	vst v63  }
0x15f: {  	_ =	swait.ge [sflag:s8], $0x10  }
0x160: {  	[sflag:s8] =	ssyncset.done $0x0  }
0x161: {  	[sflag:s8] =	ssyncadd.s32 $0xFFFFFFF0  }
0x162: {  	p0 =	sne.s32 s4, $0x0;
	[bflag:$0x0] =	sbarrier.arrive $0xFFFF  }
0x163: {  	_ =	sfence.sel @p0 $0x180000  }
0x164: {  	[bflag:$0x0] =	sbarrier.arrive @p0 $0xFFFF  }
0x165: {  	_ =	strace @p0 $0x90000047  }
0x166: {  	[bflag:$0x2] =	sbarrier.arrive @p0 $0xFFFF  }
0x167: {  	_ =	shalt @p0  }
.LBB2_12:
0x168: {  	s4 =	simm.s32 $0xB190  }
0x169: {  	[tilespmem:s4], [sflag:$0x1] =	stream.linear.gather [spmem:s3], $0x2000, $0x38;
	[tilespmem:$0xD510] =	vst v63  }
0x16a: {  	_ =	swait.ge [sflag:s8], $0x2000  }
0x16b: {  	[sflag:s8] =	ssyncset.done $0x0  }
0x16c: {  	s29 =	simm.s32 $0xD190;
	[sflag:s8] =	ssyncadd.s32 $0xFFFFE000  }
0x16d: {  	[tilespmem:s29], [sflag:$0x1] =	stream.linear.gather [spmem:s2], $0x100, $0x38;
	[tilespmem:$0xD510] =	vst v63  }
0x16e: {  	_ =	swait.ge [sflag:s8], $0x100  }
0x16f: {  	s30 =	simm.s32 $0x0;
	[sflag:s8] =	ssyncset.done $0x0  }
0x170: {  	s5 =	sand.u32 $0xF0, s30;
	[sflag:s8] =	ssyncadd.s32 $0xFFFFFF00  }
0x171: {  	v0 =	vld [tilespmem:s5+$0xB190]  }
0x172: {  	v1 =	vld [tilespmem:s5+$0xB290]  }
0x173: {  	v2 =	vld [tilespmem:s5+$0xB390]  }
0x174: {  	v3 =	vld [tilespmem:s5+$0xB490]  }
0x175: {  	v4 =	vld [tilespmem:s5+$0xB590]  }
0x176: {  	v5 =	vld [tilespmem:s5+$0xB690];
	v0 =	vadd.f32 $0.0e+00, v0  }
0x177: {  	v6 =	vld [tilespmem:s5+$0xB790];
	v1 =	vadd.f32 $0.0e+00, v1  }
0x178: {  	v0 =	vadd.f32 v2, v0;
	v2 =	vld [tilespmem:s5+$0xB890]  }
0x179: {  	v7 =	vld [tilespmem:s5+$0xB990];
	v1 =	vadd.f32 v3, v1  }
0x17a: {  	v3 =	vld [tilespmem:s5+$0xBA90];
	v0 =	vadd.f32 v4, v0  }
0x17b: {  	v49 =	vld [tilespmem:s5+$0xBB90];
	v1 =	vadd.f32 v5, v1  }
0x17c: {  	v50 =	vld [tilespmem:s5+$0xBC90];
	v0 =	vadd.f32 v6, v0  }
0x17d: {  	v51 =	vld [tilespmem:s5+$0xBD90];
	v1 =	vadd.f32 v2, v1  }
0x17e: {  	v2 =	vld [tilespmem:s5+$0xBE90];
	v0 =	vadd.f32 v7, v0  }
0x17f: {  	v52 =	vld [tilespmem:s5+$0xBF90];
	v1 =	vadd.f32 v3, v1  }
0x180: {  	v3 =	vld [tilespmem:s5+$0xC090];
	v0 =	vadd.f32 v49, v0  }
0x181: {  	v53 =	vld [tilespmem:s5+$0xC190];
	v1 =	vadd.f32 v50, v1  }
0x182: {  	v54 =	vld [tilespmem:s5+$0xC290];
	v0 =	vadd.f32 v51, v0  }
0x183: {  	v55 =	vld [tilespmem:s5+$0xC390];
	v1 =	vadd.f32 v2, v1  }
0x184: {  	v2 =	vld [tilespmem:s5+$0xC490];
	v0 =	vadd.f32 v52, v0  }
0x185: {  	v56 =	vld [tilespmem:s5+$0xC590];
	v1 =	vadd.f32 v3, v1  }
0x186: {  	v3 =	vld [tilespmem:s5+$0xC690];
	v0 =	vadd.f32 v53, v0  }
0x187: {  	v57 =	vld [tilespmem:s5+$0xC790];
	v1 =	vadd.f32 v54, v1  }
0x188: {  	v58 =	vld [tilespmem:s5+$0xC890];
	v0 =	vadd.f32 v55, v0  }
0x189: {  	v59 =	vld [tilespmem:s5+$0xC990];
	v1 =	vadd.f32 v2, v1  }
0x18a: {  	v2 =	vld [tilespmem:s5+$0xCA90];
	v0 =	vadd.f32 v56, v0  }
0x18b: {  	v60 =	vld [tilespmem:s5+$0xCB90];
	v1 =	vadd.f32 v3, v1  }
0x18c: {  	v3 =	vld [tilespmem:s5+$0xCC90];
	v0 =	vadd.f32 v57, v0  }
0x18d: {  	v61 =	vld [tilespmem:s5+$0xCD90];
	v1 =	vadd.f32 v58, v1  }
0x18e: {  	v62 =	vld [tilespmem:s5+$0xCE90];
	v0 =	vadd.f32 v59, v0  }
0x18f: {  	v63 =	vld [tilespmem:s5+$0xCF90];
	v1 =	vadd.f32 v2, v1  }
0x190: {  	v2 =	vld [tilespmem:s5+$0xD090];
	v0 =	vadd.f32 v60, v0  }
0x191: {  	v1 =	vadd.f32 v3, v1  }
0x192: {  	v0 =	vadd.f32 v61, v0  }
0x193: {  	v1 =	vadd.f32 v62, v1  }
0x194: {  	v0 =	vadd.f32 v63, v0  }
0x195: {  	s31 =	simm.s32 $0x10;
	s2 =	simm.s32 $0xD290;
	v1 =	vadd.f32 v2, v1  }
0x196: {  	s3 =	sand.u32 $0xF0, s31;
	[tilespmem:s2+$0x0] =	vst v0  }
0x197: {  	s4 =	simm.s32 $0x20;
	v0 =	vld [tilespmem:s3+$0xB190];
	[tilespmem:s5+$0xD390] =	vst v1  }
.LBB2_13:
0x198: {  	p0 =	sne.s32 s4, $0xF0;
	v1 =	vld [tilespmem:s3+$0xB290]  }
0x199: {  	v2 =	vld [tilespmem:s3+$0xB390]  }
0x19a: {  	v3 =	vld [tilespmem:s3+$0xB490]  }
0x19b: {  	v4 =	vld [tilespmem:s3+$0xB590]  }
0x19c: {  	v0 =	vadd.f32 $0.0e+00, v0;
	v5 =	vld [tilespmem:s3+$0xB690]  }
0x19d: {  	v1 =	vadd.f32 $0.0e+00, v1;
	v6 =	vld [tilespmem:s3+$0xB790]  }
0x19e: {  	v0 =	vadd.f32 v2, v0;
	v2 =	vld [tilespmem:s3+$0xB890]  }
0x19f: {  	v1 =	vadd.f32 v3, v1;
	v3 =	vld [tilespmem:s3+$0xB990]  }
0x1a0: {  	v0 =	vadd.f32 v4, v0;
	v4 =	vld [tilespmem:s3+$0xBA90]  }
0x1a1: {  	v1 =	vadd.f32 v5, v1;
	v5 =	vld [tilespmem:s3+$0xBB90]  }
0x1a2: {  	v0 =	vadd.f32 v6, v0;
	v6 =	vld [tilespmem:s3+$0xBC90]  }
0x1a3: {  	v1 =	vadd.f32 v2, v1;
	v2 =	vld [tilespmem:s3+$0xBD90]  }
0x1a4: {  	v0 =	vadd.f32 v3, v0;
	v3 =	vld [tilespmem:s3+$0xBE90]  }
0x1a5: {  	v1 =	vadd.f32 v4, v1;
	v4 =	vld [tilespmem:s3+$0xBF90]  }
0x1a6: {  	v0 =	vadd.f32 v5, v0;
	v5 =	vld [tilespmem:s3+$0xC090]  }
0x1a7: {  	v1 =	vadd.f32 v6, v1;
	v6 =	vld [tilespmem:s3+$0xC190]  }
0x1a8: {  	v0 =	vadd.f32 v2, v0;
	v2 =	vld [tilespmem:s3+$0xC290]  }
0x1a9: {  	v1 =	vadd.f32 v3, v1;
	v3 =	vld [tilespmem:s3+$0xC390]  }
0x1aa: {  	v0 =	vadd.f32 v4, v0;
	v4 =	vld [tilespmem:s3+$0xC490]  }
0x1ab: {  	v1 =	vadd.f32 v5, v1;
	v5 =	vld [tilespmem:s3+$0xC590]  }
0x1ac: {  	v0 =	vadd.f32 v6, v0;
	v6 =	vld [tilespmem:s3+$0xC690]  }
0x1ad: {  	v1 =	vadd.f32 v2, v1;
	v2 =	vld [tilespmem:s3+$0xC790]  }
0x1ae: {  	v0 =	vadd.f32 v3, v0;
	v3 =	vld [tilespmem:s3+$0xC890]  }
0x1af: {  	v1 =	vadd.f32 v4, v1;
	v4 =	vld [tilespmem:s3+$0xC990]  }
0x1b0: {  	v0 =	vadd.f32 v5, v0;
	v5 =	vld [tilespmem:s3+$0xCA90]  }
0x1b1: {  	v1 =	vadd.f32 v6, v1;
	v6 =	vld [tilespmem:s3+$0xCB90]  }
0x1b2: {  	v0 =	vadd.f32 v2, v0;
	v2 =	vld [tilespmem:s3+$0xCC90]  }
0x1b3: {  	v1 =	vadd.f32 v3, v1;
	v3 =	vld [tilespmem:s3+$0xCD90]  }
0x1b4: {  	v0 =	vadd.f32 v4, v0;
	v4 =	vld [tilespmem:s3+$0xCE90]  }
0x1b5: {  	v1 =	vadd.f32 v5, v1;
	v5 =	vld [tilespmem:s3+$0xCF90]  }
0x1b6: {  	v0 =	vadd.f32 v6, v0;
	v6 =	vld [tilespmem:s3+$0xD090]  }
0x1b7: {  	v1 =	vadd.f32 v2, v1  }
0x1b8: {  	v0 =	vadd.f32 v3, v0  }
.Ltmp6:
0x1b9: {  	v1 =	vadd.f32 v4, v1;
	(pc) =	sbr.rel @p0 .LBB2_13-.Ltmp6, $4  }
0x1ba: {  	v0 =	vadd.f32 v5, v0  }
0x1bb: {  	s2 =	sadd.s32 $0x10, s2;
	v1 =	vadd.f32 v6, v1  }
0x1bc: {  	s5 =	sand.u32 $0xF0, s4;
	[tilespmem:s2+$0x0] =	vst v0  }
0x1bd: {  	s4 =	sadd.s32 $0x10, s4;
	v0 =	vld [tilespmem:s5+$0xB190];
	[tilespmem:s3+$0xD390] =	vst v1;
	s3 =	smov.u32 s5  }
0x1be: {  	v1 =	vld [tilespmem:s3+$0xB290]  }
0x1bf: {  	v2 =	vld [tilespmem:s3+$0xB390]  }
0x1c0: {  	v3 =	vld [tilespmem:s3+$0xB490]  }
0x1c1: {  	v4 =	vld [tilespmem:s3+$0xB590]  }
0x1c2: {  	v5 =	vld [tilespmem:s3+$0xB690];
	v0 =	vadd.f32 $0.0e+00, v0  }
0x1c3: {  	v6 =	vld [tilespmem:s3+$0xB790];
	v1 =	vadd.f32 $0.0e+00, v1  }
0x1c4: {  	v0 =	vadd.f32 v2, v0;
	v2 =	vld [tilespmem:s3+$0xB890]  }
0x1c5: {  	v1 =	vadd.f32 v3, v1;
	v3 =	vld [tilespmem:s3+$0xB990]  }
0x1c6: {  	v0 =	vadd.f32 v4, v0;
	v4 =	vld [tilespmem:s3+$0xBA90]  }
0x1c7: {  	v1 =	vadd.f32 v5, v1;
	v5 =	vld [tilespmem:s3+$0xBB90]  }
0x1c8: {  	v0 =	vadd.f32 v6, v0;
	v6 =	vld [tilespmem:s3+$0xBC90]  }
0x1c9: {  	v1 =	vadd.f32 v2, v1;
	v2 =	vld [tilespmem:s3+$0xBD90]  }
0x1ca: {  	v0 =	vadd.f32 v3, v0;
	v3 =	vld [tilespmem:s3+$0xBE90]  }
0x1cb: {  	v1 =	vadd.f32 v4, v1;
	v4 =	vld [tilespmem:s3+$0xBF90]  }
0x1cc: {  	v0 =	vadd.f32 v5, v0;
	v5 =	vld [tilespmem:s3+$0xC090]  }
0x1cd: {  	v1 =	vadd.f32 v6, v1;
	v6 =	vld [tilespmem:s3+$0xC190]  }
0x1ce: {  	v0 =	vadd.f32 v2, v0;
	v2 =	vld [tilespmem:s3+$0xC290]  }
0x1cf: {  	v1 =	vadd.f32 v3, v1;
	v3 =	vld [tilespmem:s3+$0xC390]  }
0x1d0: {  	v0 =	vadd.f32 v4, v0;
	v4 =	vld [tilespmem:s3+$0xC490]  }
0x1d1: {  	v1 =	vadd.f32 v5, v1;
	v5 =	vld [tilespmem:s3+$0xC590]  }
0x1d2: {  	v0 =	vadd.f32 v6, v0;
	v6 =	vld [tilespmem:s3+$0xC690]  }
0x1d3: {  	v1 =	vadd.f32 v2, v1;
	v2 =	vld [tilespmem:s3+$0xC790]  }
0x1d4: {  	v0 =	vadd.f32 v3, v0;
	v3 =	vld [tilespmem:s3+$0xC890]  }
0x1d5: {  	v1 =	vadd.f32 v4, v1;
	v4 =	vld [tilespmem:s3+$0xC990]  }
0x1d6: {  	v0 =	vadd.f32 v5, v0;
	v5 =	vld [tilespmem:s3+$0xCA90]  }
0x1d7: {  	v1 =	vadd.f32 v6, v1;
	v6 =	vld [tilespmem:s3+$0xCB90]  }
0x1d8: {  	v0 =	vadd.f32 v2, v0;
	v2 =	vld [tilespmem:s3+$0xCC90]  }
0x1d9: {  	v1 =	vadd.f32 v3, v1;
	v3 =	vld [tilespmem:s3+$0xCD90]  }
0x1da: {  	v0 =	vadd.f32 v4, v0;
	v4 =	vld [tilespmem:s3+$0xCE90]  }
0x1db: {  	v1 =	vadd.f32 v5, v1;
	v5 =	vld [tilespmem:s3+$0xCF90]  }
0x1dc: {  	v7 =	vlaneseq.u32;
	v0 =	vadd.f32 v6, v0;
	v6 =	vld [tilespmem:s3+$0xD090]  }
0x1dd: {  	v1 =	vadd.f32 v2, v1;
	v2 =	vmul.u32 $0x10, v7  }
0x1de: {  	v0 =	vadd.f32 v3, v0  }
0x1df: {  	v1 =	vadd.f32 v4, v1;
	v3 =	vor.u32 $0x2, v2  }
0x1e0: {  	v4 =	vor.u32 $0x5, v2;
	v0 =	vadd.f32 v5, v0  }
0x1e1: {  	s2 =	sadd.s32 $0x10, s2;
	v1 =	vadd.f32 v6, v1  }
0x1e2: {  	[tilespmem:s2+$0x0] =	vst v0  }
0x1e3: {  	s5 =	simm.s32 $0xD190;
	[tilespmem:s3+$0xD390] =	vst v1  }
0x1e4: {  	v1 =	vld.idx.msk [tilespmem:v3+s5+$0x0], $0xffff  }
0x1e5: {  	v0 =	vld.idx.msk [tilespmem:v4+s5+$0x0], $0xffff;
	_ =	sdelay $0x3  }
0x1e6: {  	v3 =	vmul.f32 $3.000000000e+00, v1;
	v4 =	vsub.f32 $8.732000000e+03, v1  }
0x1e7: {  	v5 =	vmul.f32 $3.000000000e+00, v0;
	v6 =	vsub.f32 $8.732000000e+03, v0  }
0x1e8: {  	v3 =	vmin.f32 v3, v4  }
0x1e9: {  	v4 =	vmin.f32 v5, v6;
	v5 =	vimm.f32 $0.0e+00;
	vm0 =	vgt.f32 v3, $0.0e+00  }
0x1ea: {  	vm15 =	vgt.f32 v4, $0.0e+00;
	v6 =	vsel vm0, $0x3F800000, v5  }
0x1eb: {  	v5 =	vsel vm15, $0x3F800000, v5;
	(xrf2) =	vadd.scan.msk.f32 $0xffff, v6  }
0x1ec: {  	s13 =	simm.s32 $0xD380;
	(xrf2) =	vadd.scan.msk.f32 $0xffff, v5  }
0x1ed: {  	(xrf2) =	vadd.scan.msk.f32 $0xffff, v3;
	v3 =	vld [tilespmem:s13+$0x0];
	_ =	sdelay $0x1  }
0x1ee: {  	(xrf2) =	vadd.scan.msk.f32 $0xffff, v4;
	_ =	sdelay $0x1  }
0x1ef: {  	s14 =	simm.s32 $0xD370  }
0x1f0: {  	s15 =	simm.s32 $0xF0;
	(xrf2) =	vadd.scan.msk.f32 $0xffff, v3;
	v3 =	vld [tilespmem:s14+$0x0]  }
0x1f1: {  	s16 =	sand.u32 $0xF0, s15  }
0x1f2: {  	v5 =	vld [tilespmem:s16+$0xD390]  }
0x1f3: {  	v4, _, _ =	vpop (xrf2)  }
0x1f4: {  	(v2sf) =	vpush v4, $0xF;
	v4, _, _ =	vpop (xrf2)  }
0x1f5: {  	(v2sf) =	vpush v4, $0xF;
	v4, _, _ =	vpop (xrf2);
	(xrf2) =	vadd.scan.msk.f32 $0xffff, v3;
	_ =	sdelay $0x1  }
0x1f6: {  	(v2sf) =	vpush v4, $0xF;
	v4, _, _ =	vpop (xrf2);
	(xrf2) =	vadd.scan.msk.f32 $0xffff, v5;
	_ =	sdelay $0x5  }
0x1f7: {  	s17 =	simm.s32 $0xE0;
	s18 =	simm.s32 $0xD360;
	(v2sf) =	vpush v4, $0xF;
	v3, _, _ =	vpop (xrf2)  }
0x1f8: {  	s2 =	sand.u32 $0xF0, s17;
	(v2sf) =	vpush v3, $0xF;
	v3 =	vld [tilespmem:s18+$0x0]  }
0x1f9: {  	s19 =	simm.s32 $0xD0;
	s20 =	simm.s32 $0xD350;
	v5 =	vld [tilespmem:s2+$0xD390];
	v4, _, _ =	vpop (xrf2)  }
0x1fa: {  	s21 =	sand.u32 $0xF0, s19;
	(v2sf) =	vpush v4, $0xF;
	v4 =	vld [tilespmem:s20+$0x0]  }
0x1fb: {  	s23 =	simm.s32 $0xD340;
	v7 =	vld [tilespmem:s21+$0xD390];
	v6, _, _ =	vpop (xrf2)  }
0x1fc: {  	(v2sf) =	vpush v6, $0xF;
	v6 =	vld [tilespmem:s23+$0x0]  }
0x1fd: {  	(xrf2) =	vadd.scan.msk.f32 $0xffff, v3  }
0x1fe: {  	(xrf2) =	vadd.scan.msk.f32 $0xffff, v5  }
0x1ff: {  	(xrf2) =	vadd.scan.msk.f32 $0xffff, v4  }
0x200: {  	(xrf2) =	vadd.scan.msk.f32 $0xffff, v7  }
0x201: {  	s4 =	spop (v2sf);
	(xrf2) =	vadd.scan.msk.f32 $0xffff, v6  }
0x202: {  	s26 =	simm.s32 $0xC0;
	s22 =	spop (v2sf)  }
0x203: {  	s3 =	sadd.f32 s22, s4;
	s4 =	sand.u32 $0xF0, s26  }
0x204: {  	s28 =	simm.s32 $0xD330;
	v4 =	vld [tilespmem:s4+$0xD390]  }
0x205: {  	v5 =	vor.u32 $0x1, v2;
	v6 =	vld [tilespmem:s28+$0x0]  }
0x206: {  	s24 =	spop (v2sf);
	v7 =	vor.u32 $0x4, v2  }
0x207: {  	s7 =	simm.s32 $0xB0;
	s25 =	spop (v2sf);
	v9, _, _ =	vpop (xrf2)  }
0x208: {  	s29 =	sand.u32 $0xF0, s7;
	s2 =	sadd.f32 s25, s24;
	p0 =	sgt.f32 s3, $0.0e+00;
	(v2sf) =	vpush v9, $0xF;
	v62, _, _ =	vpop (xrf2)  }
0x209: {  	v8 =	vld [tilespmem:s29+$0xD390];
	(xrf2) =	vadd.scan.msk.f32 $0xffff, v4;
	(v2sf) =	vpush v62, $0xF;
	v63, _, _ =	vpop (xrf2)  }
0x20a: {  	s2 =	simm.s32 @!p0 $0x42C80000;
	v4 =	vld.idx.msk [tilespmem:v5+s5+$0x0], $0xffff;
	(xrf2) =	vadd.scan.msk.f32 $0xffff, v6;
	(v2sf) =	vpush v63, $0xF;
	v6, _, _ =	vpop (xrf2)  }
0x20b: {  	s30 =	simm.s32 $0xD320;
	s2 =	scvt.f32.s32 s2;
	v5 =	vld.idx.msk [tilespmem:v7+s5+$0x0], $0xffff;
	(v2sf) =	vpush v6, $0xF;
	v7, _, _ =	vpop (xrf2)  }
0x20c: {  	v10 =	vld [tilespmem:s30+$0x0];
	v3 =	vor.u32 $0x3, v2;
	s3 =	simm.f32 $0.0e+00;
	s6 =	spop (v2sf);
	(v2sf) =	vpush v7, $0xF  }
0x20d: {  	s6 =	sadd.f32 s6, s3;
	s2 =	scvt.s32.f32 s2  }
0x20e: {  	p1 =	por $0x1, $0x1;
	s10 =	simm.s32 $0xF;
	s12 =	simm.s32 $0xA0  }
0x20f: {  	s9 =	simm.s32 $0x90;
	s11 =	simm.s32 $0x80;
	p6 =	sge.f32 s6, s2  }
0x210: {  	s7 =	simm.s32 $0xFFFFFFFF;
	s12 =	sand.u32 $0xF0, s12;
	s31 =	spop (v2sf);
	(xrf2) =	vadd.scan.msk.f32 $0xffff, v8  }
0x211: {  	v3 =	vld.idx.msk [tilespmem:v3+s5+$0x0], $0xffff;
	p0 =	por !p1, !p6;
	s8 =	sadd.f32 s31, s6;
	s13 =	spop (v2sf);
	(xrf2) =	vadd.scan.msk.f32 $0xffff, v10  }
0x212: {  	v2 =	vld.idx.msk [tilespmem:v2+s5+$0x0], $0xffff;
	s4 =	simm.f32 $0.0e+00;
	p1 =	por !p0, !p0;
	s5 =	sadd.f32 s13, s3  }
0x213: {  	v6 =	vld [tilespmem:s12+$0xD390];
	s12 =	simm.s32 $0xD310;
	s7 =	smov.u32 @p1 s10;
	p0 =	sge.f32 s8, s2  }
0x214: {  	s4 =	smov.u32 @p1 s4;
	s3 =	smov.u32 @p1 s3;
	p2 =	slt.s32 s7, $0x0  }
.LBB2_15:
0x215: {  	p1 =	sne.s32 s11, $0x0;
	p0 =	por !p2, !p0;
	s13 =	smov.u32 s11  }
0x216: {  	v7 =	vld [tilespmem:s12+$0x0];
	v8, _, _ =	vpop (xrf2);
	s11 =	sadd.s32 $0xFFFFFFF0, s11;
	s14 =	smov.u32 s8;
	s10 =	sadd.s32 $0xFFFFFFFF, s10  }
.Ltmp7:
0x217: {  	(v2sf) =	vpush v8, $0xF;
	s15 =	spop (v2sf);
	p0 =	por !p0, !p0;
	(pc) =	sbr.rel @p1 .LBB2_15-.Ltmp7, $4  }
0x218: {  	s9 =	sand.u32 $0xF0, s9;
	(xrf2) =	vadd.scan.msk.f32 $0xffff, v6;
	s8 =	sadd.f32 s15, s8;
	s7 =	smov.u32 @p0 s10  }
0x219: {  	s4 =	smov.u32 @p0 s6;
	s3 =	smov.u32 @p0 s5;
	v6 =	vld [tilespmem:s9+$0xD390];
	v8, _, _ =	vpop (xrf2);
	s9 =	smov.u32 s13  }
0x21a: {  	s6 =	smov.u32 s14;
	(v2sf) =	vpush v8, $0xF;
	p0 =	sge.f32 s8, s2;
	s13 =	spop (v2sf)  }
0x21b: {  	s12 =	sadd.s32 $0xFFFFFFF0, s12;
	p2 =	slt.s32 s7, $0x0;
	(xrf2) =	vadd.scan.msk.f32 $0xffff, v7;
	s5 =	sadd.f32 s13, s5  }
0x21c: {  	_ =	sdelay $0x3  }
0x21d: {  	v7, _, _ =	vpop (xrf2)  }
0x21e: {  	(v2sf) =	vpush v7, $0xF;
	v36, _, _ =	vpop (xrf2)  }
0x21f: {  	(v2sf) =	vpush v36, $0xF;
	_ =	sdelay $0x1  }
0x220: {  	v37, _, _ =	vpop (xrf2)  }
0x221: {  	s11 =	spop (v2sf);
	(v2sf) =	vpush v37, $0xF;
	v38, _, _ =	vpop (xrf2)  }
0x222: {  	p0 =	por !p2, !p0;
	s14 =	sadd.f32 s11, s8;
	(v2sf) =	vpush v38, $0xF  }
0x223: {  	p0 =	por !p0, !p0;
	s11 =	sadd.s32 $0xFFFFFFFF, s10  }
0x224: {  	s25 =	spop (v2sf);
	s7 =	smov.u32 @p0 s11;
	p1 =	sge.f32 s14, s2  }
0x225: {  	s12 =	spop (v2sf);
	p4 =	slt.s32 s7, $0x0  }
0x226: {  	s15 =	sadd.f32 s12, s14;
	p1 =	por !p4, !p1  }
0x227: {  	s13 =	sadd.s32 $0xFFFFFFFF, s11;
	p1 =	por !p1, !p1  }
0x228: {  	p5 =	sge.f32 s15, s2;
	s7 =	smov.u32 @p1 s13;
	s26 =	spop (v2sf)  }
0x229: {  	p3 =	slt.s32 s7, $0x0;
	s28 =	spop (v2sf)  }
0x22a: {  	p2 =	por !p3, !p5;
	s16 =	sadd.f32 s28, s15  }
0x22b: {  	s13 =	sadd.s32 $0xFFFFFFFF, s13;
	p2 =	por !p2, !p2  }
0x22c: {  	s7 =	smov.u32 @p2 s13;
	p6 =	sge.f32 s16, s2;
	s29 =	spop (v2sf)  }
0x22d: {  	p4 =	slt.s32 s7, $0x0;
	s17 =	spop (v2sf)  }
0x22e: {  	p3 =	por !p4, !p6;
	s17 =	sadd.f32 s17, s16  }
0x22f: {  	s18 =	sadd.s32 $0xFFFFFFFF, s13;
	p5 =	por !p3, !p3  }
0x230: {  	s7 =	smov.u32 @p5 s18;
	p4 =	sge.f32 s17, s2;
	s30 =	spop (v2sf)  }
0x231: {  	p6 =	slt.s32 s7, $0x0;
	s19 =	spop (v2sf)  }
0x232: {  	p3 =	por !p6, !p4;
	s19 =	sadd.f32 s19, s17  }
0x233: {  	s18 =	sadd.s32 $0xFFFFFFFF, s18;
	p3 =	por !p3, !p3  }
0x234: {  	s7 =	smov.u32 @p3 s18;
	p4 =	sge.f32 s19, s2  }
0x235: {  	p6 =	slt.s32 s7, $0x0  }
0x236: {  	p4 =	por !p6, !p4  }
0x237: {  	s18 =	sadd.s32 $0xFFFFFFFF, s18;
	p4 =	por !p4, !p4  }
0x238: {  	s9 =	sand.u32 $0xF0, s9;
	s7 =	smov.u32 @p4 s18  }
0x239: {  	v39 =	vld [tilespmem:s9+$0xD390];
	p6 =	sgt.s32 s7, $0x0  }
0x23a: {  	s7 =	simm.s32 @!p6 $0x0  }
0x23b: {  	s7 =	sshll.u32 s7, $0x4  }
0x23c: {  	v8 =	vld [tilespmem:s7+$0xD290]  }
0x23d: {  	v40 =	vlaneseq.u32;
	(xrf2) =	vadd.scan.msk.f32 $0xffff, v6  }
0x23e: {  	v41 =	vmul.u32 $0xFFFFFFFF, v40;
	(xrf2) =	vadd.scan.msk.f32 $0xffff, v39  }
0x23f: {  	(xrf2) =	vadd.scan.msk.f32 $0xffff, v2  }
0x240: {  	v42 =	vadd.s32 $0xF, v41;
	(xrf2) =	vadd.scan.msk.f32 $0xffff, v3  }
0x241: {  	(xrf2) =	vadd.scan.msk.f32 $0xffff, v4;
	v43 =	vperm.xlane v8, v42  }
0x242: {  	(xrf2) =	vadd.scan.msk.f32 $0xffff, v5  }
0x243: {  	(xrf2) =	vadd.scan.msk.f32 $0xffff, v43;
	_ =	sdelay $0x3  }
0x244: {  	v44, _, _ =	vpop (xrf2)  }
0x245: {  	s4 =	smov.u32 @p0 s6;
	v45, _, _ =	vpop (xrf2)  }
0x246: {  	s4 =	smov.u32 @p1 s8;
	v46, _, _ =	vpop (xrf2)  }
0x247: {  	s4 =	smov.u32 @p2 s14;
	v9, _, _ =	vpop (xrf2);
	v47 =	vld [tilespmem:s7+$0xD390]  }
0x248: {  	s4 =	smov.u32 @p5 s15;
	v10, _, _ =	vpop (xrf2)  }
0x249: {  	v11, _, _ =	vpop (xrf2);
	s4 =	smov.u32 @p3 s16  }
0x24a: {  	s4 =	smov.u32 @p4 s17;
	v12, _, _ =	vpop (xrf2)  }
0x24b: {  	v48 =	vadd.f32 s4, v12  }
0x24c: {  	v2 =	vperm.xlane v47, v42  }
0x24d: {  	vm0 =	vge.f32 v48, s2  }
0x24e: {  	(xrf2) =	vadd.scan.msk.f32 $0xffff, v2;
	v8 =	vmctz.xlane vm0;
	_ =	sdelay $0x1  }
0x24f: {  	vm0 =	veq.s32 v8, v40  }
0x250: {  	v3 =	vnsel vm0, $0x0, v43  }
0x251: {  	(xrf2) =	vadd.scan.msk.f32 $0xffff, v3;
	_ =	sdelay $0x4  }
0x252: {  	vm9 =	vlt.f32 v1, $0.0e+00;
	(v2sf) =	vpush v44, $0xF;
	v50 =	vnsel vm0, $0x0, v12  }
0x253: {  	vm1 =	vgt.f32 v1, $0.0e+00;
	vm10 =	vlt.f32 v0, $0.0e+00;
	(v2sf) =	vpush v45, $0xF;
	v49, _, _ =	vpop (xrf2);
	(xrf2) =	vadd.scan.msk.f32 $0xffff, v50  }
0x254: {  	vm2 =	vgt.f32 v0, $0.0e+00;
	(v2sf) =	vpush v46, $0xF;
	v3 =	vnsel vm0, $0x0, v49  }
0x255: {  	(v2sf) =	vpush v9, $0xF;
	v2 =	vnsel vm0, $0x0, v2;
	vm0 =	vmor vm1, vm9;
	(xrf2) =	vadd.scan.msk.f32 $0xffff, v3  }
0x256: {  	vm11 =	vmor vm2, vm10;
	(v2sf) =	vpush v10, $0xF;
	v51 =	vnsel vm0, $0x3F800000, v1;
	(xrf2) =	vadd.scan.msk.f32 $0xffff, v2  }
0x257: {  	v53 =	vnsel vm11, $0x3F800000, v0;
	(v2sf) =	vpush v11, $0xF;
	(xrf2) =	vadd.scan.msk.f32 $0xffff, v51;
	v52, _, _ =	vpop (xrf2)  }
0x258: {  	(xrf2) =	vadd.scan.msk.f32 $0xffff, v53;
	(v2sf) =	vpush v52, $0xF;
	_ =	sdelay $0x4  }
0x259: {  	v54, _, _ =	vpop (xrf2)  }
0x25a: {  	(v2sf) =	vpush v54, $0xF  }
0x25b: {  	v55, _, _ =	vpop (xrf2)  }
0x25c: {  	(v2sf) =	vpush v55, $0xF;
	v56, _, _ =	vpop (xrf2)  }
0x25d: {  	s31 =	spop (v2sf);
	(v2sf) =	vpush v56, $0xF;
	v1, _, _ =	vpop (xrf2)  }
0x25e: {  	s8 =	spop (v2sf);
	(v2sf) =	vpush v1, $0xF;
	v57, _, _ =	vpop (xrf2)  }
0x25f: {  	s7 =	spop (v2sf);
	(v2sf) =	vpush v57, $0xF  }
0x260: {  	s9 =	spop (v2sf)  }
0x261: {  	s14 =	spop (v2sf)  }
0x262: {  	s17 =	spop (v2sf)  }
0x263: {  	s18 =	spop (v2sf)  }
0x264: {  	s19 =	smax.f32 s18, $1.000000000e+00  }
0x265: {  	s10 =	sadd.f32 s25, s5;
	v58 =	vmov s19  }
0x266: {  	(erf) = vrcp.f32 v58  }
0x267: {  	s11 =	sadd.f32 s26, s10  }
0x268: {  	s3 =	smov.u32 @p0 s5  }
0x269: {  	s3 =	smov.u32 @p1 s10;
	s5 =	sadd.f32 s29, s11;
	s20 =	spop (v2sf)  }
0x26a: {  	s3 =	smov.u32 @p2 s11;
	s4 =	sadd.f32 s20, s4  }
0x26b: {  	s3 =	smov.u32 @p5 s5;
	s5 =	sadd.f32 s30, s5;
	s21 =	spop (v2sf)  }
0x26c: {  	v59 =	vimm.s32 $0x0;
	vm12 =	vgt.f32 v52, $0.0e+00;
	s22 =	spop (v2sf);
	s4 =	ssub.f32 s18, s4  }
0x26d: {  	s6 =	sadd.f32 s31, s5;
	v1 =	vsel vm12, $0x1, v59;
	s23 =	spop (v2sf)  }
0x26e: {  	v1 =	vbroadcast v1, $0xF;
	s4 =	sadd.f32 s2, s4;
	s24 =	spop (v2sf)  }
0x26f: {  	s3 =	smov.u32 @p3 s5;
	s25 =	sadd.f32 s24, s23;
	v60 =	vpop (erf)  }
0x270: {  	s3 =	smov.u32 @p4 s6;
	v1 =	vand.u32 $0x1, v1;
	v2 =	vmul.f32 s4, v60  }
0x271: {  	v0 =	vbroadcast v56, $0xF;
	vm13 =	veq.s32 v1, $0x1;
	s3 =	sadd.f32 s21, s3;
	v61 =	vmov s25  }
0x272: {  	(erf) = vrcp.f32 v61;
	v2 =	vnsel vm13, $0x0, v2  }
0x273: {  	s3 =	ssub.f32 s3, s22;
	v0 =	vmul.f32 v2, v0;
	_ =	sdelay $0x1  }
0x274: {  	v62 =	vmov s2;
	v0 =	vadd.f32 s3, v0  }
0x275: {  	vm14 =	vgt.f32 v62, $0.0e+00;
	s26 =	sadd.f32 s9, s7  }
0x276: {  	v0 =	vnsel vm14, $0x0, v0  }
0x277: {  	s28 =	sadd.f32 s17, s14;
	v0 =	vadd.f32 s26, v0;
	_ =	sdelay $0x1  }
0x278: {  	v0 =	vadd.f32 s28, v0  }
0x279: {  	v63 =	vpop (erf)  }
0x27a: {  	v0 =	vmul.f32 v0, v63  }
0x27b: {  	vm15 =	vmmov $0x1  }
0x27c: {  	v0 =	vnsel vm15, $0x0, v0  }
0x27d: {  	s29 =	simm.s32 $0x0;
	s30 =	simm.s32 $0xD490;
	s31 =	simm.s32 $0x1;
	[tilespmem:$0xD490] =	vst v0  }
0x27e: {  	[hbm4b:s1+s29] =	stream.linear.scatter [tilespmem:s30], [sflag:$0x1], $0x80, $0x38;
	[tilespmem:$0xD510] =	vst v63  }
0x27f: {  	_ =	swait.ge [sflag:s31], $0x80  }
0x280: {  	[sflag:s31] =	ssyncset.done $0x0  }
0x281: {  	[sflag:s31] =	ssyncadd.s32 $0xFFFFFF80  }
0x282: {  	_ =	sfence.sel $0x180000  }
0x283: {  	[bflag:$0x0] =	sbarrier.arrive $0xFFFF  }
0x284: {  	_ =	strace $0x90000047  }
0x285: {  	s0 =	sadd.s32 $0x100000, s0;
	[bflag:$0x2] =	sbarrier.arrive $0xFFFF  }
0x286: {  	[sflag:s0] =	ssyncadd.tile.s32 $0x1;
	_ =	shalt  }
.Lfunc_end2:
_tile_overlayer_lowered:
.L_overlay_start_2:
0x287: {  	(tag) =	ssettag $0x2  }
0x288: {  	s0 =	rddreg [dreg:$0x0];
	s2 =	stileid.u32  }
0x289: {  	s1 =	rddreg [dreg:$0x1];
	p0 =	sne.s32 s2, $0x0  }
0x28a: {  	s3 =	rddreg [dreg:$0x2];
	[bflag:$0x3] =	sbarrier.arrive $0xFFFF;
	s2 =	simm.s32 @!p0 $0x1C01  }
0x28b: {  	[timem:s3], [sflag:s2] =	dma.local @!p0 [hbm:s0], s1  }
0x28c: {  	s0 =	simm.s32 @!p0 $0x1  }
0x28d: {  	_ =	swait.ge @!p0 [sflag:s0], s1  }
0x28e: {  	s1 =	ssub.s32 @!p0 $0x0, s1;
	[sflag:s0] =	ssyncset.done @!p0 $0x0  }
0x28f: {  	[sflag:s0] =	ssyncadd.s32 @!p0 s1  }
0x290: {  	[bflag:$0x3] =	sbarrier.arrive $0xFFFF  }
0x291: {  	_ =	shalt  }

</sc_bundles>
